<compile_context>
chip_gen: v7x
topology: tpu7x:2x2x1
jax: 0.10.2.dev20260603
libtpu: 0.0.44.dev20260713+nightly
codegen_flags: <defaults>
</compile_context>

<pallas_src>
import math

import jax
import jax.numpy as jnp
from jax import lax
from jax.experimental import pallas as pl
from jax.experimental.pallas import tpu as pltpu
from jax.experimental.pallas import tpu_sc as plsc

D_MODEL = 64
SCALE = math.sqrt(D_MODEL)
VOCAB = 1000000

_NC = 2
_NS = 16
_NW = _NC * _NS
_CHUNK = 128
_NBUF = 2


def _make_sc_lookup(n_rows):
    assert n_rows % (_NW * _CHUNK * _NBUF) == 0
    chunks_per_w = n_rows // (_NW * _CHUNK)
    n_super = chunks_per_w // _NBUF
    mesh = plsc.VectorSubcoreMesh(core_axis_name="c", subcore_axis_name="s")

    def body(idx_hbm, t2p, out_hbm, idx_v, gbufs, sbufs, gsems, ssems):
        wid = lax.axis_index("s") * _NC + lax.axis_index("c")
        chunk_base = wid * chunks_per_w
        pltpu.sync_copy(idx_hbm.at[pl.ds(chunk_base, chunks_per_w)], idx_v)

        def start_gather(b, g):
            pltpu.async_copy(t2p.at[idx_v.at[g]], gbufs[b], gsems[b])

        def wait_gather(b, g):
            pltpu.make_async_copy(
                t2p.at[idx_v.at[g]], gbufs[b], gsems[b]
            ).wait()

        def out_slice(g):
            return out_hbm.at[pl.ds((chunk_base + g) * _CHUNK, _CHUNK)]

        def start_store(b, g):
            pltpu.async_copy(sbufs[b], out_slice(g), ssems[b])

        def wait_store(b, g):
            pltpu.make_async_copy(sbufs[b], out_slice(g), ssems[b]).wait()

        def scale(b, g):
            def scale_row(r, c):
                for d in range(D_MODEL // 16):
                    sl = pl.ds(d * 16, 16)
                    sbufs[b][r, sl] = gbufs[b][r, sl] * SCALE
                return c

            lax.fori_loop(0, _CHUNK, scale_row, 0)

        for b in range(_NBUF):
            start_gather(b, b)
        for b in range(_NBUF):
            wait_gather(b, b)
            scale(b, b)
            start_store(b, b)
            start_gather(b, b + _NBUF)

        def super_it(s, carry):
            for b in range(_NBUF):
                g = s * _NBUF + b
                wait_gather(b, g)
                wait_store(b, g - _NBUF)
                scale(b, g)
                start_store(b, g)
                start_gather(b, g + _NBUF)
            return carry

        if n_super > 2:
            lax.fori_loop(1, n_super - 1, super_it, 0)

        for b in range(_NBUF):
            g = (n_super - 1) * _NBUF + b
            wait_gather(b, g)
            wait_store(b, g - _NBUF)
            scale(b, g)
            start_store(b, g)
        for b in range(_NBUF):
            g = (n_super - 1) * _NBUF + b
            wait_store(b, g)

    return pl.kernel(
        body,
        out_type=jax.ShapeDtypeStruct((n_rows, D_MODEL), jnp.float32),
        mesh=mesh,
        scratch_types=[
            pltpu.VMEM((chunks_per_w, _CHUNK), jnp.int32),
            [pltpu.VMEM((_CHUNK, 2 * D_MODEL), jnp.float32) for _ in range(_NBUF)],
            [pltpu.VMEM((_CHUNK, D_MODEL), jnp.float32) for _ in range(_NBUF)],
            [pltpu.SemaphoreType.DMA for _ in range(_NBUF)],
            [pltpu.SemaphoreType.DMA for _ in range(_NBUF)],
        ],
    )


def kernel(x, embedding):
    n_rows = x.size
    idx = x.reshape(n_rows // _CHUNK, _CHUNK).astype(jnp.int32)
    t2d = jnp.concatenate([embedding, embedding], axis=1)
    out = _make_sc_lookup(n_rows)(idx, t2d)
    return out.reshape(x.shape + (D_MODEL,))

# --- scband reference (transcript-rebuilt; emitter-appended) ---
"""Pipeline reference for scband-input-embedding-40080634806467 (READ-ONLY COPY).

The authoritative reference and input builder live on the scoring server;
editing this copy changes nothing except your own understanding.
"""

import jax, jax.numpy as jnp
import numpy as np
import math

D_MODEL = 64
VOCAB_SIZE = 1000000

def setup_inputs(seed: int = 0) -> dict:
    key = jax.random.key(seed)
    k1, k2 = jax.random.split(key)
    x = jax.random.randint(k1, (4096, 200), 0, VOCAB_SIZE, dtype=jnp.int64 if jax.config.jax_enable_x64 else jnp.int32)
    embedding = jax.random.normal(k2, (VOCAB_SIZE, D_MODEL), dtype=jnp.float32)
    return {"x": x, "embedding": embedding}

def reference(x, embedding):
    # Faithful translation of InputEmbedding.forward: embedding lookup scaled by sqrt(d_model)
    emb = jnp.take(embedding, x.astype(jnp.int32), axis=0)
    return emb * math.sqrt(D_MODEL)

if __name__ == "__main__":
    import jax
    _d = setup_inputs()
    print(jax.jit(kernel)(*tuple(_d.values())))

</pallas_src>

<mosaic_0001>
#map = affine_map<(d0, d1) -> (0, 0)>
module attributes {stable_mosaic.version = 14 : i64} {
  func.func @body(%arg0: i32, %arg1: i32, %arg2: memref<6400x128xi32, #tpu.memory_space<hbm>>, %arg3: memref<1000000x128xf32, #tpu.memory_space<hbm>>, %arg4: memref<819200x64xf32, #tpu.memory_space<hbm>>, %arg5: memref<200x128xi32, #tpu.memory_space<vmem>>, %arg6: memref<128x128xf32, #tpu.memory_space<vmem>>, %arg7: memref<128x128xf32, #tpu.memory_space<vmem>>, %arg8: memref<128x64xf32, #tpu.memory_space<vmem>>, %arg9: memref<128x64xf32, #tpu.memory_space<vmem>>, %arg10: memref<!tpu.dma_semaphore, #tpu.memory_space<semaphore_mem>>, %arg11: memref<!tpu.dma_semaphore, #tpu.memory_space<semaphore_mem>>, %arg12: memref<!tpu.dma_semaphore, #tpu.memory_space<semaphore_mem>>, %arg13: memref<!tpu.dma_semaphore, #tpu.memory_space<semaphore_mem>>) attributes {dimension_semantics = [#tpu.dimension_semantics<core_parallel>, #tpu.dimension_semantics<subcore_parallel>], iteration_bounds = array<i64: 2, 16>, scalar_prefetch = 0 : i64, scratch_operands = 9 : i64, tpu.core_type = #tpu.core_type<sc_vector_subcore>, window_params = [{transform_indices = #map}, {transform_indices = #map}, {transform_indices = #map}]} {
    %mul3A = arith.constant 2 : i32
    %mul3A_0 = arith.muli %arg1, %mul3A : i32
    %add3A = arith.addi %mul3A_0, %arg0 : i32
    %mul3A_1 = arith.constant 200 : i32
    %mul3A_2 = arith.muli %add3A, %mul3A_1 : i32
    "tpu.region"() ({
      %run_scoped3A = tpu.sem_alloc : memref<!tpu.dma_semaphore, #tpu.memory_space<semaphore_mem>>
      %dma_start3A_150 = arith.constant 0 : i32
      %dma_start3A_151 = tpu.memref_slice %arg2[%mul3A_2, %dma_start3A_150] : memref<6400x128xi32, #tpu.memory_space<hbm>> -> memref<200x128xi32, #tpu.memory_space<hbm>>
      %dma_start3A_152 = arith.constant 0 : i32
      %dma_start3A_153 = tpu.memref_slice %arg2[%mul3A_2, %dma_start3A_152] : memref<6400x128xi32, #tpu.memory_space<hbm>> -> memref<200x128xi32, #tpu.memory_space<hbm>>
      tpu.enqueue_dma source(%dma_start3A_153 : memref<200x128xi32, #tpu.memory_space<hbm>>) target(%arg5 : memref<200x128xi32, #tpu.memory_space<vmem>>) target_semaphore(%run_scoped3A : memref<!tpu.dma_semaphore, #tpu.memory_space<semaphore_mem>>)
      %dma_wait3A_154 = arith.constant 0 : i32
      %dma_wait3A_155 = tpu.memref_slice %arg2[%mul3A_2, %dma_wait3A_154] : memref<6400x128xi32, #tpu.memory_space<hbm>> -> memref<200x128xi32, #tpu.memory_space<hbm>>
      %dma_wait3A_156 = arith.constant 0 : i32
      %dma_wait3A_157 = tpu.memref_slice %arg2[%mul3A_2, %dma_wait3A_156] : memref<6400x128xi32, #tpu.memory_space<hbm>> -> memref<200x128xi32, #tpu.memory_space<hbm>>
      tpu.wait_dma2 semaphore(%run_scoped3A : memref<!tpu.dma_semaphore, #tpu.memory_space<semaphore_mem>>) src(%dma_wait3A_157 : memref<200x128xi32, #tpu.memory_space<hbm>>) dst(%arg5 : memref<200x128xi32, #tpu.memory_space<vmem>>)
      tpu.yield
    }) : () -> ()
    %dma_start3A = arith.constant 0 : i32
    %dma_start3A_3 = arith.constant 0 : i32
    %dma_start3A_4 = tpu.memref_slice %arg5[%dma_start3A, %dma_start3A_3] : memref<200x128xi32, #tpu.memory_space<vmem>> -> memref<1x128xi32, #tpu.memory_space<vmem>>
    %dma_start3A_5 = tpu.memref_squeeze %dma_start3A_4 : memref<1x128xi32, #tpu.memory_space<vmem>> -> memref<128xi32, #tpu.memory_space<vmem>>
    %dma_start3A_6 = arith.constant 0 : i32
    %dma_start3A_7 = arith.constant 0 : i32
    %dma_start3A_8 = tpu.memref_slice %arg3[%dma_start3A_6, %dma_start3A_7] : memref<1000000x128xf32, #tpu.memory_space<hbm>> -> memref<1000000x128xf32, #tpu.memory_space<hbm>>
    tpu.enqueue_indirect_dma source(%dma_start3A_8 : memref<1000000x128xf32, #tpu.memory_space<hbm>>) target(%arg6 : memref<128x128xf32, #tpu.memory_space<vmem>>) offsets(%dma_start3A_5 : memref<128xi32, #tpu.memory_space<vmem>>) semaphore(%arg10 : memref<!tpu.dma_semaphore, #tpu.memory_space<semaphore_mem>>)
    %dma_start3A_9 = arith.constant 1 : i32
    %dma_start3A_10 = arith.constant 0 : i32
    %dma_start3A_11 = tpu.memref_slice %arg5[%dma_start3A_9, %dma_start3A_10] : memref<200x128xi32, #tpu.memory_space<vmem>> -> memref<1x128xi32, #tpu.memory_space<vmem>>
    %dma_start3A_12 = tpu.memref_squeeze %dma_start3A_11 : memref<1x128xi32, #tpu.memory_space<vmem>> -> memref<128xi32, #tpu.memory_space<vmem>>
    %dma_start3A_13 = arith.constant 0 : i32
    %dma_start3A_14 = arith.constant 0 : i32
    %dma_start3A_15 = tpu.memref_slice %arg3[%dma_start3A_13, %dma_start3A_14] : memref<1000000x128xf32, #tpu.memory_space<hbm>> -> memref<1000000x128xf32, #tpu.memory_space<hbm>>
    tpu.enqueue_indirect_dma source(%dma_start3A_15 : memref<1000000x128xf32, #tpu.memory_space<hbm>>) target(%arg7 : memref<128x128xf32, #tpu.memory_space<vmem>>) offsets(%dma_start3A_12 : memref<128xi32, #tpu.memory_space<vmem>>) semaphore(%arg11 : memref<!tpu.dma_semaphore, #tpu.memory_space<semaphore_mem>>)
    %dma_wait3A = arith.constant 0 : i32
    %dma_wait3A_16 = arith.constant 0 : i32
    %dma_wait3A_17 = tpu.memref_slice %arg5[%dma_wait3A, %dma_wait3A_16] : memref<200x128xi32, #tpu.memory_space<vmem>> -> memref<1x128xi32, #tpu.memory_space<vmem>>
    %dma_wait3A_18 = tpu.memref_squeeze %dma_wait3A_17 : memref<1x128xi32, #tpu.memory_space<vmem>> -> memref<128xi32, #tpu.memory_space<vmem>>
    %dma_wait3A_19 = arith.constant 0 : i32
    %dma_wait3A_20 = arith.constant 0 : i32
    %dma_wait3A_21 = tpu.memref_slice %arg3[%dma_wait3A_19, %dma_wait3A_20] : memref<1000000x128xf32, #tpu.memory_space<hbm>> -> memref<1000000x128xf32, #tpu.memory_space<hbm>>
    tpu.wait_indirect_dma semaphore(%arg10 : memref<!tpu.dma_semaphore, #tpu.memory_space<semaphore_mem>>) src(%dma_wait3A_21 : memref<1000000x128xf32, #tpu.memory_space<hbm>>) dst(%arg6 : memref<128x128xf32, #tpu.memory_space<vmem>>)
    %scan3A = arith.constant 0 : i32
    %scan3A_22 = arith.constant 0 : i32
    %scan3A_23 = arith.constant 128 : i32
    %scan3A_24 = arith.addi %scan3A_22, %scan3A_23 : i32
    %scan3A_25 = arith.constant 1 : i32
    scf.for %scan3A_150 = %scan3A_22 to %scan3A_24 step %scan3A_25  : i32 {
      %get3A = arith.index_cast %scan3A_150 : i32 to index
      %get3A_151 = arith.constant 0 : index
      %get3A_152 = tpu.vector_load %arg6[%get3A, %get3A_151] {strides = array<i32>} : memref<128x128xf32, #tpu.memory_space<vmem>>, vector<1x16xf32>,
      %get3A_153 = vector.shape_cast %get3A_152 : vector<1x16xf32> to vector<16xf32>
      %mul3A_154 = arith.constant 8.000000e+00 : f32
      %mul3A_155 = vector.broadcast %mul3A_154 : f32 to vector<16xf32>
      %mul3A_156 = arith.mulf %get3A_153, %mul3A_155 : vector<16xf32>
      %swap3A = arith.index_cast %scan3A_150 : i32 to index
      %swap3A_157 = arith.constant 0 : index
      %swap3A_158 = tpu.vector_load %arg8[%swap3A, %swap3A_157] {strides = array<i32>} : memref<128x64xf32, #tpu.memory_space<vmem>>, vector<1x16xf32>,
      %swap3A_159 = vector.shape_cast %swap3A_158 : vector<1x16xf32> to vector<16xf32>
      %swap3A_160 = vector.shape_cast %mul3A_156 : vector<16xf32> to vector<1x16xf32>
      tpu.vector_store %arg8[%swap3A, %swap3A_157], %swap3A_160 {strides = array<i32>} : memref<128x64xf32, #tpu.memory_space<vmem>>, vector<1x16xf32>,
      %get3A_161 = arith.index_cast %scan3A_150 : i32 to index
      %get3A_162 = arith.constant 16 : index
      %get3A_163 = tpu.vector_load %arg6[%get3A_161, %get3A_162] {strides = array<i32>} : memref<128x128xf32, #tpu.memory_space<vmem>>, vector<1x16xf32>,
      %get3A_164 = vector.shape_cast %get3A_163 : vector<1x16xf32> to vector<16xf32>
      %mul3A_165 = arith.constant 8.000000e+00 : f32
      %mul3A_166 = vector.broadcast %mul3A_165 : f32 to vector<16xf32>
      %mul3A_167 = arith.mulf %get3A_164, %mul3A_166 : vector<16xf32>
      %swap3A_168 = arith.index_cast %scan3A_150 : i32 to index
      %swap3A_169 = arith.constant 16 : index
      %swap3A_170 = tpu.vector_load %arg8[%swap3A_168, %swap3A_169] {strides = array<i32>} : memref<128x64xf32, #tpu.memory_space<vmem>>, vector<1x16xf32>,
      %swap3A_171 = vector.shape_cast %swap3A_170 : vector<1x16xf32> to vector<16xf32>
      %swap3A_172 = vector.shape_cast %mul3A_167 : vector<16xf32> to vector<1x16xf32>
      tpu.vector_store %arg8[%swap3A_168, %swap3A_169], %swap3A_172 {strides = array<i32>} : memref<128x64xf32, #tpu.memory_space<vmem>>, vector<1x16xf32>,
      %get3A_173 = arith.index_cast %scan3A_150 : i32 to index
      %get3A_174 = arith.constant 32 : index
      %get3A_175 = tpu.vector_load %arg6[%get3A_173, %get3A_174] {strides = array<i32>} : memref<128x128xf32, #tpu.memory_space<vmem>>, vector<1x16xf32>,
      %get3A_176 = vector.shape_cast %get3A_175 : vector<1x16xf32> to vector<16xf32>
      %mul3A_177 = arith.constant 8.000000e+00 : f32
      %mul3A_178 = vector.broadcast %mul3A_177 : f32 to vector<16xf32>
      %mul3A_179 = arith.mulf %get3A_176, %mul3A_178 : vector<16xf32>
      %swap3A_180 = arith.index_cast %scan3A_150 : i32 to index
      %swap3A_181 = arith.constant 32 : index
      %swap3A_182 = tpu.vector_load %arg8[%swap3A_180, %swap3A_181] {strides = array<i32>} : memref<128x64xf32, #tpu.memory_space<vmem>>, vector<1x16xf32>,
      %swap3A_183 = vector.shape_cast %swap3A_182 : vector<1x16xf32> to vector<16xf32>
      %swap3A_184 = vector.shape_cast %mul3A_179 : vector<16xf32> to vector<1x16xf32>
      tpu.vector_store %arg8[%swap3A_180, %swap3A_181], %swap3A_184 {strides = array<i32>} : memref<128x64xf32, #tpu.memory_space<vmem>>, vector<1x16xf32>,
      %get3A_185 = arith.index_cast %scan3A_150 : i32 to index
      %get3A_186 = arith.constant 48 : index
      %get3A_187 = tpu.vector_load %arg6[%get3A_185, %get3A_186] {strides = array<i32>} : memref<128x128xf32, #tpu.memory_space<vmem>>, vector<1x16xf32>,
      %get3A_188 = vector.shape_cast %get3A_187 : vector<1x16xf32> to vector<16xf32>
      %mul3A_189 = arith.constant 8.000000e+00 : f32
      %mul3A_190 = vector.broadcast %mul3A_189 : f32 to vector<16xf32>
      %mul3A_191 = arith.mulf %get3A_188, %mul3A_190 : vector<16xf32>
      %swap3A_192 = arith.index_cast %scan3A_150 : i32 to index
      %swap3A_193 = arith.constant 48 : index
      %swap3A_194 = tpu.vector_load %arg8[%swap3A_192, %swap3A_193] {strides = array<i32>} : memref<128x64xf32, #tpu.memory_space<vmem>>, vector<1x16xf32>,
      %swap3A_195 = vector.shape_cast %swap3A_194 : vector<1x16xf32> to vector<16xf32>
      %swap3A_196 = vector.shape_cast %mul3A_191 : vector<16xf32> to vector<1x16xf32>
      tpu.vector_store %arg8[%swap3A_192, %swap3A_193], %swap3A_196 {strides = array<i32>} : memref<128x64xf32, #tpu.memory_space<vmem>>, vector<1x16xf32>,
    }
    %scan3A_26 = arith.constant 128 : i32
    %add3A_27 = arith.constant 0 : i32
    %add3A_28 = arith.addi %mul3A_2, %add3A_27 : i32
    %mul3A_29 = arith.constant 128 : i32
    %mul3A_30 = arith.muli %add3A_28, %mul3A_29 : i32
    %dma_start3A_31 = arith.constant 0 : i32
    %dma_start3A_32 = tpu.memref_slice %arg4[%mul3A_30, %dma_start3A_31] : memref<819200x64xf32, #tpu.memory_space<hbm>> -> memref<128x64xf32, #tpu.memory_space<hbm>>
    %dma_start3A_33 = arith.constant 0 : i32
    %dma_start3A_34 = tpu.memref_slice %arg4[%mul3A_30, %dma_start3A_33] : memref<819200x64xf32, #tpu.memory_space<hbm>> -> memref<128x64xf32, #tpu.memory_space<hbm>>
    tpu.enqueue_dma source(%arg8 : memref<128x64xf32, #tpu.memory_space<vmem>>) target(%dma_start3A_34 : memref<128x64xf32, #tpu.memory_space<hbm>>) target_semaphore(%arg12 : memref<!tpu.dma_semaphore, #tpu.memory_space<semaphore_mem>>)
    %dma_start3A_35 = arith.constant 2 : i32
    %dma_start3A_36 = arith.constant 0 : i32
    %dma_start3A_37 = tpu.memref_slice %arg5[%dma_start3A_35, %dma_start3A_36] : memref<200x128xi32, #tpu.memory_space<vmem>> -> memref<1x128xi32, #tpu.memory_space<vmem>>
    %dma_start3A_38 = tpu.memref_squeeze %dma_start3A_37 : memref<1x128xi32, #tpu.memory_space<vmem>> -> memref<128xi32, #tpu.memory_space<vmem>>
    %dma_start3A_39 = arith.constant 0 : i32
    %dma_start3A_40 = arith.constant 0 : i32
    %dma_start3A_41 = tpu.memref_slice %arg3[%dma_start3A_39, %dma_start3A_40] : memref<1000000x128xf32, #tpu.memory_space<hbm>> -> memref<1000000x128xf32, #tpu.memory_space<hbm>>
    tpu.enqueue_indirect_dma source(%dma_start3A_41 : memref<1000000x128xf32, #tpu.memory_space<hbm>>) target(%arg6 : memref<128x128xf32, #tpu.memory_space<vmem>>) offsets(%dma_start3A_38 : memref<128xi32, #tpu.memory_space<vmem>>) semaphore(%arg10 : memref<!tpu.dma_semaphore, #tpu.memory_space<semaphore_mem>>)
    %dma_wait3A_42 = arith.constant 1 : i32
    %dma_wait3A_43 = arith.constant 0 : i32
    %dma_wait3A_44 = tpu.memref_slice %arg5[%dma_wait3A_42, %dma_wait3A_43] : memref<200x128xi32, #tpu.memory_space<vmem>> -> memref<1x128xi32, #tpu.memory_space<vmem>>
    %dma_wait3A_45 = tpu.memref_squeeze %dma_wait3A_44 : memref<1x128xi32, #tpu.memory_space<vmem>> -> memref<128xi32, #tpu.memory_space<vmem>>
    %dma_wait3A_46 = arith.constant 0 : i32
    %dma_wait3A_47 = arith.constant 0 : i32
    %dma_wait3A_48 = tpu.memref_slice %arg3[%dma_wait3A_46, %dma_wait3A_47] : memref<1000000x128xf32, #tpu.memory_space<hbm>> -> memref<1000000x128xf32, #tpu.memory_space<hbm>>
    tpu.wait_indirect_dma semaphore(%arg11 : memref<!tpu.dma_semaphore, #tpu.memory_space<semaphore_mem>>) src(%dma_wait3A_48 : memref<1000000x128xf32, #tpu.memory_space<hbm>>) dst(%arg7 : memref<128x128xf32, #tpu.memory_space<vmem>>)
    %scan3A_49 = arith.constant 0 : i32
    %scan3A_50 = arith.constant 0 : i32
    %scan3A_51 = arith.constant 128 : i32
    %scan3A_52 = arith.addi %scan3A_50, %scan3A_51 : i32
    %scan3A_53 = arith.constant 1 : i32
    scf.for %scan3A_150 = %scan3A_50 to %scan3A_52 step %scan3A_53  : i32 {
      %get3A = arith.index_cast %scan3A_150 : i32 to index
      %get3A_151 = arith.constant 0 : index
      %get3A_152 = tpu.vector_load %arg7[%get3A, %get3A_151] {strides = array<i32>} : memref<128x128xf32, #tpu.memory_space<vmem>>, vector<1x16xf32>,
      %get3A_153 = vector.shape_cast %get3A_152 : vector<1x16xf32> to vector<16xf32>
      %mul3A_154 = arith.constant 8.000000e+00 : f32
      %mul3A_155 = vector.broadcast %mul3A_154 : f32 to vector<16xf32>
      %mul3A_156 = arith.mulf %get3A_153, %mul3A_155 : vector<16xf32>
      %swap3A = arith.index_cast %scan3A_150 : i32 to index
      %swap3A_157 = arith.constant 0 : index
      %swap3A_158 = tpu.vector_load %arg9[%swap3A, %swap3A_157] {strides = array<i32>} : memref<128x64xf32, #tpu.memory_space<vmem>>, vector<1x16xf32>,
      %swap3A_159 = vector.shape_cast %swap3A_158 : vector<1x16xf32> to vector<16xf32>
      %swap3A_160 = vector.shape_cast %mul3A_156 : vector<16xf32> to vector<1x16xf32>
      tpu.vector_store %arg9[%swap3A, %swap3A_157], %swap3A_160 {strides = array<i32>} : memref<128x64xf32, #tpu.memory_space<vmem>>, vector<1x16xf32>,
      %get3A_161 = arith.index_cast %scan3A_150 : i32 to index
      %get3A_162 = arith.constant 16 : index
      %get3A_163 = tpu.vector_load %arg7[%get3A_161, %get3A_162] {strides = array<i32>} : memref<128x128xf32, #tpu.memory_space<vmem>>, vector<1x16xf32>,
      %get3A_164 = vector.shape_cast %get3A_163 : vector<1x16xf32> to vector<16xf32>
      %mul3A_165 = arith.constant 8.000000e+00 : f32
      %mul3A_166 = vector.broadcast %mul3A_165 : f32 to vector<16xf32>
      %mul3A_167 = arith.mulf %get3A_164, %mul3A_166 : vector<16xf32>
      %swap3A_168 = arith.index_cast %scan3A_150 : i32 to index
      %swap3A_169 = arith.constant 16 : index
      %swap3A_170 = tpu.vector_load %arg9[%swap3A_168, %swap3A_169] {strides = array<i32>} : memref<128x64xf32, #tpu.memory_space<vmem>>, vector<1x16xf32>,
      %swap3A_171 = vector.shape_cast %swap3A_170 : vector<1x16xf32> to vector<16xf32>
      %swap3A_172 = vector.shape_cast %mul3A_167 : vector<16xf32> to vector<1x16xf32>
      tpu.vector_store %arg9[%swap3A_168, %swap3A_169], %swap3A_172 {strides = array<i32>} : memref<128x64xf32, #tpu.memory_space<vmem>>, vector<1x16xf32>,
      %get3A_173 = arith.index_cast %scan3A_150 : i32 to index
      %get3A_174 = arith.constant 32 : index
      %get3A_175 = tpu.vector_load %arg7[%get3A_173, %get3A_174] {strides = array<i32>} : memref<128x128xf32, #tpu.memory_space<vmem>>, vector<1x16xf32>,
      %get3A_176 = vector.shape_cast %get3A_175 : vector<1x16xf32> to vector<16xf32>
      %mul3A_177 = arith.constant 8.000000e+00 : f32
      %mul3A_178 = vector.broadcast %mul3A_177 : f32 to vector<16xf32>
      %mul3A_179 = arith.mulf %get3A_176, %mul3A_178 : vector<16xf32>
      %swap3A_180 = arith.index_cast %scan3A_150 : i32 to index
      %swap3A_181 = arith.constant 32 : index
      %swap3A_182 = tpu.vector_load %arg9[%swap3A_180, %swap3A_181] {strides = array<i32>} : memref<128x64xf32, #tpu.memory_space<vmem>>, vector<1x16xf32>,
      %swap3A_183 = vector.shape_cast %swap3A_182 : vector<1x16xf32> to vector<16xf32>
      %swap3A_184 = vector.shape_cast %mul3A_179 : vector<16xf32> to vector<1x16xf32>
      tpu.vector_store %arg9[%swap3A_180, %swap3A_181], %swap3A_184 {strides = array<i32>} : memref<128x64xf32, #tpu.memory_space<vmem>>, vector<1x16xf32>,
      %get3A_185 = arith.index_cast %scan3A_150 : i32 to index
      %get3A_186 = arith.constant 48 : index
      %get3A_187 = tpu.vector_load %arg7[%get3A_185, %get3A_186] {strides = array<i32>} : memref<128x128xf32, #tpu.memory_space<vmem>>, vector<1x16xf32>,
      %get3A_188 = vector.shape_cast %get3A_187 : vector<1x16xf32> to vector<16xf32>
      %mul3A_189 = arith.constant 8.000000e+00 : f32
      %mul3A_190 = vector.broadcast %mul3A_189 : f32 to vector<16xf32>
      %mul3A_191 = arith.mulf %get3A_188, %mul3A_190 : vector<16xf32>
      %swap3A_192 = arith.index_cast %scan3A_150 : i32 to index
      %swap3A_193 = arith.constant 48 : index
      %swap3A_194 = tpu.vector_load %arg9[%swap3A_192, %swap3A_193] {strides = array<i32>} : memref<128x64xf32, #tpu.memory_space<vmem>>, vector<1x16xf32>,
      %swap3A_195 = vector.shape_cast %swap3A_194 : vector<1x16xf32> to vector<16xf32>
      %swap3A_196 = vector.shape_cast %mul3A_191 : vector<16xf32> to vector<1x16xf32>
      tpu.vector_store %arg9[%swap3A_192, %swap3A_193], %swap3A_196 {strides = array<i32>} : memref<128x64xf32, #tpu.memory_space<vmem>>, vector<1x16xf32>,
    }
    %scan3A_54 = arith.constant 128 : i32
    %add3A_55 = arith.constant 1 : i32
    %add3A_56 = arith.addi %mul3A_2, %add3A_55 : i32
    %mul3A_57 = arith.constant 128 : i32
    %mul3A_58 = arith.muli %add3A_56, %mul3A_57 : i32
    %dma_start3A_59 = arith.constant 0 : i32
    %dma_start3A_60 = tpu.memref_slice %arg4[%mul3A_58, %dma_start3A_59] : memref<819200x64xf32, #tpu.memory_space<hbm>> -> memref<128x64xf32, #tpu.memory_space<hbm>>
    %dma_start3A_61 = arith.constant 0 : i32
    %dma_start3A_62 = tpu.memref_slice %arg4[%mul3A_58, %dma_start3A_61] : memref<819200x64xf32, #tpu.memory_space<hbm>> -> memref<128x64xf32, #tpu.memory_space<hbm>>
    tpu.enqueue_dma source(%arg9 : memref<128x64xf32, #tpu.memory_space<vmem>>) target(%dma_start3A_62 : memref<128x64xf32, #tpu.memory_space<hbm>>) target_semaphore(%arg13 : memref<!tpu.dma_semaphore, #tpu.memory_space<semaphore_mem>>)
    %dma_start3A_63 = arith.constant 3 : i32
    %dma_start3A_64 = arith.constant 0 : i32
    %dma_start3A_65 = tpu.memref_slice %arg5[%dma_start3A_63, %dma_start3A_64] : memref<200x128xi32, #tpu.memory_space<vmem>> -> memref<1x128xi32, #tpu.memory_space<vmem>>
    %dma_start3A_66 = tpu.memref_squeeze %dma_start3A_65 : memref<1x128xi32, #tpu.memory_space<vmem>> -> memref<128xi32, #tpu.memory_space<vmem>>
    %dma_start3A_67 = arith.constant 0 : i32
    %dma_start3A_68 = arith.constant 0 : i32
    %dma_start3A_69 = tpu.memref_slice %arg3[%dma_start3A_67, %dma_start3A_68] : memref<1000000x128xf32, #tpu.memory_space<hbm>> -> memref<1000000x128xf32, #tpu.memory_space<hbm>>
    tpu.enqueue_indirect_dma source(%dma_start3A_69 : memref<1000000x128xf32, #tpu.memory_space<hbm>>) target(%arg7 : memref<128x128xf32, #tpu.memory_space<vmem>>) offsets(%dma_start3A_66 : memref<128xi32, #tpu.memory_space<vmem>>) semaphore(%arg11 : memref<!tpu.dma_semaphore, #tpu.memory_space<semaphore_mem>>)
    %scan3A_70 = arith.constant 0 : i32
    %scan3A_71 = arith.constant 1 : i32
    %scan3A_72 = arith.constant 98 : i32
    %scan3A_73 = arith.addi %scan3A_71, %scan3A_72 : i32
    %scan3A_74 = arith.constant 1 : i32
    scf.for %scan3A_150 = %scan3A_71 to %scan3A_73 step %scan3A_74  : i32 {
      %mul3A_151 = arith.constant 2 : i32
      %mul3A_152 = arith.muli %scan3A_150, %mul3A_151 : i32
      %add3A_153 = arith.constant 0 : i32
      %add3A_154 = arith.addi %mul3A_152, %add3A_153 : i32
      %dma_wait3A_155 = arith.constant 0 : i32
      %dma_wait3A_156 = tpu.memref_slice %arg5[%add3A_154, %dma_wait3A_155] : memref<200x128xi32, #tpu.memory_space<vmem>> -> memref<1x128xi32, #tpu.memory_space<vmem>>
      %dma_wait3A_157 = tpu.memref_squeeze %dma_wait3A_156 : memref<1x128xi32, #tpu.memory_space<vmem>> -> memref<128xi32, #tpu.memory_space<vmem>>
      %dma_wait3A_158 = arith.constant 0 : i32
      %dma_wait3A_159 = arith.constant 0 : i32
      %dma_wait3A_160 = tpu.memref_slice %arg3[%dma_wait3A_158, %dma_wait3A_159] : memref<1000000x128xf32, #tpu.memory_space<hbm>> -> memref<1000000x128xf32, #tpu.memory_space<hbm>>
      tpu.wait_indirect_dma semaphore(%arg10 : memref<!tpu.dma_semaphore, #tpu.memory_space<semaphore_mem>>) src(%dma_wait3A_160 : memref<1000000x128xf32, #tpu.memory_space<hbm>>) dst(%arg6 : memref<128x128xf32, #tpu.memory_space<vmem>>)
      %sub3A = arith.constant 2 : i32
      %sub3A_161 = arith.subi %add3A_154, %sub3A : i32
      %add3A_162 = arith.addi %mul3A_2, %sub3A_161 : i32
      %mul3A_163 = arith.constant 128 : i32
      %mul3A_164 = arith.muli %add3A_162, %mul3A_163 : i32
      %dma_wait3A_165 = arith.constant 0 : i32
      %dma_wait3A_166 = tpu.memref_slice %arg4[%mul3A_164, %dma_wait3A_165] : memref<819200x64xf32, #tpu.memory_space<hbm>> -> memref<128x64xf32, #tpu.memory_space<hbm>>
      %dma_wait3A_167 = arith.constant 0 : i32
      %dma_wait3A_168 = tpu.memref_slice %arg4[%mul3A_164, %dma_wait3A_167] : memref<819200x64xf32, #tpu.memory_space<hbm>> -> memref<128x64xf32, #tpu.memory_space<hbm>>
      tpu.wait_dma2 semaphore(%arg12 : memref<!tpu.dma_semaphore, #tpu.memory_space<semaphore_mem>>) src(%arg8 : memref<128x64xf32, #tpu.memory_space<vmem>>) dst(%dma_wait3A_168 : memref<128x64xf32, #tpu.memory_space<hbm>>)
      %scan3A_169 = arith.constant 0 : i32
      %scan3A_170 = arith.constant 0 : i32
      %scan3A_171 = arith.constant 128 : i32
      %scan3A_172 = arith.addi %scan3A_170, %scan3A_171 : i32
      %scan3A_173 = arith.constant 1 : i32
      scf.for %scan3A_230 = %scan3A_170 to %scan3A_172 step %scan3A_173  : i32 {
        %get3A = arith.index_cast %scan3A_230 : i32 to index
        %get3A_231 = arith.constant 0 : index
        %get3A_232 = tpu.vector_load %arg6[%get3A, %get3A_231] {strides = array<i32>} : memref<128x128xf32, #tpu.memory_space<vmem>>, vector<1x16xf32>,
        %get3A_233 = vector.shape_cast %get3A_232 : vector<1x16xf32> to vector<16xf32>
        %mul3A_234 = arith.constant 8.000000e+00 : f32
        %mul3A_235 = vector.broadcast %mul3A_234 : f32 to vector<16xf32>
        %mul3A_236 = arith.mulf %get3A_233, %mul3A_235 : vector<16xf32>
        %swap3A = arith.index_cast %scan3A_230 : i32 to index
        %swap3A_237 = arith.constant 0 : index
        %swap3A_238 = tpu.vector_load %arg8[%swap3A, %swap3A_237] {strides = array<i32>} : memref<128x64xf32, #tpu.memory_space<vmem>>, vector<1x16xf32>,
        %swap3A_239 = vector.shape_cast %swap3A_238 : vector<1x16xf32> to vector<16xf32>
        %swap3A_240 = vector.shape_cast %mul3A_236 : vector<16xf32> to vector<1x16xf32>
        tpu.vector_store %arg8[%swap3A, %swap3A_237], %swap3A_240 {strides = array<i32>} : memref<128x64xf32, #tpu.memory_space<vmem>>, vector<1x16xf32>,
        %get3A_241 = arith.index_cast %scan3A_230 : i32 to index
        %get3A_242 = arith.constant 16 : index
        %get3A_243 = tpu.vector_load %arg6[%get3A_241, %get3A_242] {strides = array<i32>} : memref<128x128xf32, #tpu.memory_space<vmem>>, vector<1x16xf32>,
        %get3A_244 = vector.shape_cast %get3A_243 : vector<1x16xf32> to vector<16xf32>
        %mul3A_245 = arith.constant 8.000000e+00 : f32
        %mul3A_246 = vector.broadcast %mul3A_245 : f32 to vector<16xf32>
        %mul3A_247 = arith.mulf %get3A_244, %mul3A_246 : vector<16xf32>
        %swap3A_248 = arith.index_cast %scan3A_230 : i32 to index
        %swap3A_249 = arith.constant 16 : index
        %swap3A_250 = tpu.vector_load %arg8[%swap3A_248, %swap3A_249] {strides = array<i32>} : memref<128x64xf32, #tpu.memory_space<vmem>>, vector<1x16xf32>,
        %swap3A_251 = vector.shape_cast %swap3A_250 : vector<1x16xf32> to vector<16xf32>
        %swap3A_252 = vector.shape_cast %mul3A_247 : vector<16xf32> to vector<1x16xf32>
        tpu.vector_store %arg8[%swap3A_248, %swap3A_249], %swap3A_252 {strides = array<i32>} : memref<128x64xf32, #tpu.memory_space<vmem>>, vector<1x16xf32>,
        %get3A_253 = arith.index_cast %scan3A_230 : i32 to index
        %get3A_254 = arith.constant 32 : index
        %get3A_255 = tpu.vector_load %arg6[%get3A_253, %get3A_254] {strides = array<i32>} : memref<128x128xf32, #tpu.memory_space<vmem>>, vector<1x16xf32>,
        %get3A_256 = vector.shape_cast %get3A_255 : vector<1x16xf32> to vector<16xf32>
        %mul3A_257 = arith.constant 8.000000e+00 : f32
        %mul3A_258 = vector.broadcast %mul3A_257 : f32 to vector<16xf32>
        %mul3A_259 = arith.mulf %get3A_256, %mul3A_258 : vector<16xf32>
        %swap3A_260 = arith.index_cast %scan3A_230 : i32 to index
        %swap3A_261 = arith.constant 32 : index
        %swap3A_262 = tpu.vector_load %arg8[%swap3A_260, %swap3A_261] {strides = array<i32>} : memref<128x64xf32, #tpu.memory_space<vmem>>, vector<1x16xf32>,
        %swap3A_263 = vector.shape_cast %swap3A_262 : vector<1x16xf32> to vector<16xf32>
        %swap3A_264 = vector.shape_cast %mul3A_259 : vector<16xf32> to vector<1x16xf32>
        tpu.vector_store %arg8[%swap3A_260, %swap3A_261], %swap3A_264 {strides = array<i32>} : memref<128x64xf32, #tpu.memory_space<vmem>>, vector<1x16xf32>,
        %get3A_265 = arith.index_cast %scan3A_230 : i32 to index
        %get3A_266 = arith.constant 48 : index
        %get3A_267 = tpu.vector_load %arg6[%get3A_265, %get3A_266] {strides = array<i32>} : memref<128x128xf32, #tpu.memory_space<vmem>>, vector<1x16xf32>,
        %get3A_268 = vector.shape_cast %get3A_267 : vector<1x16xf32> to vector<16xf32>
        %mul3A_269 = arith.constant 8.000000e+00 : f32
        %mul3A_270 = vector.broadcast %mul3A_269 : f32 to vector<16xf32>
        %mul3A_271 = arith.mulf %get3A_268, %mul3A_270 : vector<16xf32>
        %swap3A_272 = arith.index_cast %scan3A_230 : i32 to index
        %swap3A_273 = arith.constant 48 : index
        %swap3A_274 = tpu.vector_load %arg8[%swap3A_272, %swap3A_273] {strides = array<i32>} : memref<128x64xf32, #tpu.memory_space<vmem>>, vector<1x16xf32>,
        %swap3A_275 = vector.shape_cast %swap3A_274 : vector<1x16xf32> to vector<16xf32>
        %swap3A_276 = vector.shape_cast %mul3A_271 : vector<16xf32> to vector<1x16xf32>
        tpu.vector_store %arg8[%swap3A_272, %swap3A_273], %swap3A_276 {strides = array<i32>} : memref<128x64xf32, #tpu.memory_space<vmem>>, vector<1x16xf32>,
      }
      %scan3A_174 = arith.constant 128 : i32
      %add3A_175 = arith.addi %mul3A_2, %add3A_154 : i32
      %mul3A_176 = arith.constant 128 : i32
      %mul3A_177 = arith.muli %add3A_175, %mul3A_176 : i32
      %dma_start3A_178 = arith.constant 0 : i32
      %dma_start3A_179 = tpu.memref_slice %arg4[%mul3A_177, %dma_start3A_178] : memref<819200x64xf32, #tpu.memory_space<hbm>> -> memref<128x64xf32, #tpu.memory_space<hbm>>
      %dma_start3A_180 = arith.constant 0 : i32
      %dma_start3A_181 = tpu.memref_slice %arg4[%mul3A_177, %dma_start3A_180] : memref<819200x64xf32, #tpu.memory_space<hbm>> -> memref<128x64xf32, #tpu.memory_space<hbm>>
      tpu.enqueue_dma source(%arg8 : memref<128x64xf32, #tpu.memory_space<vmem>>) target(%dma_start3A_181 : memref<128x64xf32, #tpu.memory_space<hbm>>) target_semaphore(%arg12 : memref<!tpu.dma_semaphore, #tpu.memory_space<semaphore_mem>>)
      %add3A_182 = arith.constant 2 : i32
      %add3A_183 = arith.addi %add3A_154, %add3A_182 : i32
      %dma_start3A_184 = arith.constant 0 : i32
      %dma_start3A_185 = tpu.memref_slice %arg5[%add3A_183, %dma_start3A_184] : memref<200x128xi32, #tpu.memory_space<vmem>> -> memref<1x128xi32, #tpu.memory_space<vmem>>
      %dma_start3A_186 = tpu.memref_squeeze %dma_start3A_185 : memref<1x128xi32, #tpu.memory_space<vmem>> -> memref<128xi32, #tpu.memory_space<vmem>>
      %dma_start3A_187 = arith.constant 0 : i32
      %dma_start3A_188 = arith.constant 0 : i32
      %dma_start3A_189 = tpu.memref_slice %arg3[%dma_start3A_187, %dma_start3A_188] : memref<1000000x128xf32, #tpu.memory_space<hbm>> -> memref<1000000x128xf32, #tpu.memory_space<hbm>>
      tpu.enqueue_indirect_dma source(%dma_start3A_189 : memref<1000000x128xf32, #tpu.memory_space<hbm>>) target(%arg6 : memref<128x128xf32, #tpu.memory_space<vmem>>) offsets(%dma_start3A_186 : memref<128xi32, #tpu.memory_space<vmem>>) semaphore(%arg10 : memref<!tpu.dma_semaphore, #tpu.memory_space<semaphore_mem>>)
      %mul3A_190 = arith.constant 2 : i32
      %mul3A_191 = arith.muli %scan3A_150, %mul3A_190 : i32
      %add3A_192 = arith.constant 1 : i32
      %add3A_193 = arith.addi %mul3A_191, %add3A_192 : i32
      %dma_wait3A_194 = arith.constant 0 : i32
      %dma_wait3A_195 = tpu.memref_slice %arg5[%add3A_193, %dma_wait3A_194] : memref<200x128xi32, #tpu.memory_space<vmem>> -> memref<1x128xi32, #tpu.memory_space<vmem>>
      %dma_wait3A_196 = tpu.memref_squeeze %dma_wait3A_195 : memref<1x128xi32, #tpu.memory_space<vmem>> -> memref<128xi32, #tpu.memory_space<vmem>>
      %dma_wait3A_197 = arith.constant 0 : i32
      %dma_wait3A_198 = arith.constant 0 : i32
      %dma_wait3A_199 = tpu.memref_slice %arg3[%dma_wait3A_197, %dma_wait3A_198] : memref<1000000x128xf32, #tpu.memory_space<hbm>> -> memref<1000000x128xf32, #tpu.memory_space<hbm>>
      tpu.wait_indirect_dma semaphore(%arg11 : memref<!tpu.dma_semaphore, #tpu.memory_space<semaphore_mem>>) src(%dma_wait3A_199 : memref<1000000x128xf32, #tpu.memory_space<hbm>>) dst(%arg7 : memref<128x128xf32, #tpu.memory_space<vmem>>)
      %sub3A_200 = arith.constant 2 : i32
      %sub3A_201 = arith.subi %add3A_193, %sub3A_200 : i32
      %add3A_202 = arith.addi %mul3A_2, %sub3A_201 : i32
      %mul3A_203 = arith.constant 128 : i32
      %mul3A_204 = arith.muli %add3A_202, %mul3A_203 : i32
      %dma_wait3A_205 = arith.constant 0 : i32
      %dma_wait3A_206 = tpu.memref_slice %arg4[%mul3A_204, %dma_wait3A_205] : memref<819200x64xf32, #tpu.memory_space<hbm>> -> memref<128x64xf32, #tpu.memory_space<hbm>>
      %dma_wait3A_207 = arith.constant 0 : i32
      %dma_wait3A_208 = tpu.memref_slice %arg4[%mul3A_204, %dma_wait3A_207] : memref<819200x64xf32, #tpu.memory_space<hbm>> -> memref<128x64xf32, #tpu.memory_space<hbm>>
      tpu.wait_dma2 semaphore(%arg13 : memref<!tpu.dma_semaphore, #tpu.memory_space<semaphore_mem>>) src(%arg9 : memref<128x64xf32, #tpu.memory_space<vmem>>) dst(%dma_wait3A_208 : memref<128x64xf32, #tpu.memory_space<hbm>>)
      %scan3A_209 = arith.constant 0 : i32
      %scan3A_210 = arith.constant 0 : i32
      %scan3A_211 = arith.constant 128 : i32
      %scan3A_212 = arith.addi %scan3A_210, %scan3A_211 : i32
      %scan3A_213 = arith.constant 1 : i32
      scf.for %scan3A_230 = %scan3A_210 to %scan3A_212 step %scan3A_213  : i32 {
        %get3A = arith.index_cast %scan3A_230 : i32 to index
        %get3A_231 = arith.constant 0 : index
        %get3A_232 = tpu.vector_load %arg7[%get3A, %get3A_231] {strides = array<i32>} : memref<128x128xf32, #tpu.memory_space<vmem>>, vector<1x16xf32>,
        %get3A_233 = vector.shape_cast %get3A_232 : vector<1x16xf32> to vector<16xf32>
        %mul3A_234 = arith.constant 8.000000e+00 : f32
        %mul3A_235 = vector.broadcast %mul3A_234 : f32 to vector<16xf32>
        %mul3A_236 = arith.mulf %get3A_233, %mul3A_235 : vector<16xf32>
        %swap3A = arith.index_cast %scan3A_230 : i32 to index
        %swap3A_237 = arith.constant 0 : index
        %swap3A_238 = tpu.vector_load %arg9[%swap3A, %swap3A_237] {strides = array<i32>} : memref<128x64xf32, #tpu.memory_space<vmem>>, vector<1x16xf32>,
        %swap3A_239 = vector.shape_cast %swap3A_238 : vector<1x16xf32> to vector<16xf32>
        %swap3A_240 = vector.shape_cast %mul3A_236 : vector<16xf32> to vector<1x16xf32>
        tpu.vector_store %arg9[%swap3A, %swap3A_237], %swap3A_240 {strides = array<i32>} : memref<128x64xf32, #tpu.memory_space<vmem>>, vector<1x16xf32>,
        %get3A_241 = arith.index_cast %scan3A_230 : i32 to index
        %get3A_242 = arith.constant 16 : index
        %get3A_243 = tpu.vector_load %arg7[%get3A_241, %get3A_242] {strides = array<i32>} : memref<128x128xf32, #tpu.memory_space<vmem>>, vector<1x16xf32>,
        %get3A_244 = vector.shape_cast %get3A_243 : vector<1x16xf32> to vector<16xf32>
        %mul3A_245 = arith.constant 8.000000e+00 : f32
        %mul3A_246 = vector.broadcast %mul3A_245 : f32 to vector<16xf32>
        %mul3A_247 = arith.mulf %get3A_244, %mul3A_246 : vector<16xf32>
        %swap3A_248 = arith.index_cast %scan3A_230 : i32 to index
        %swap3A_249 = arith.constant 16 : index
        %swap3A_250 = tpu.vector_load %arg9[%swap3A_248, %swap3A_249] {strides = array<i32>} : memref<128x64xf32, #tpu.memory_space<vmem>>, vector<1x16xf32>,
        %swap3A_251 = vector.shape_cast %swap3A_250 : vector<1x16xf32> to vector<16xf32>
        %swap3A_252 = vector.shape_cast %mul3A_247 : vector<16xf32> to vector<1x16xf32>
        tpu.vector_store %arg9[%swap3A_248, %swap3A_249], %swap3A_252 {strides = array<i32>} : memref<128x64xf32, #tpu.memory_space<vmem>>, vector<1x16xf32>,
        %get3A_253 = arith.index_cast %scan3A_230 : i32 to index
        %get3A_254 = arith.constant 32 : index
        %get3A_255 = tpu.vector_load %arg7[%get3A_253, %get3A_254] {strides = array<i32>} : memref<128x128xf32, #tpu.memory_space<vmem>>, vector<1x16xf32>,
        %get3A_256 = vector.shape_cast %get3A_255 : vector<1x16xf32> to vector<16xf32>
        %mul3A_257 = arith.constant 8.000000e+00 : f32
        %mul3A_258 = vector.broadcast %mul3A_257 : f32 to vector<16xf32>
        %mul3A_259 = arith.mulf %get3A_256, %mul3A_258 : vector<16xf32>
        %swap3A_260 = arith.index_cast %scan3A_230 : i32 to index
        %swap3A_261 = arith.constant 32 : index
        %swap3A_262 = tpu.vector_load %arg9[%swap3A_260, %swap3A_261] {strides = array<i32>} : memref<128x64xf32, #tpu.memory_space<vmem>>, vector<1x16xf32>,
        %swap3A_263 = vector.shape_cast %swap3A_262 : vector<1x16xf32> to vector<16xf32>
        %swap3A_264 = vector.shape_cast %mul3A_259 : vector<16xf32> to vector<1x16xf32>
        tpu.vector_store %arg9[%swap3A_260, %swap3A_261], %swap3A_264 {strides = array<i32>} : memref<128x64xf32, #tpu.memory_space<vmem>>, vector<1x16xf32>,
        %get3A_265 = arith.index_cast %scan3A_230 : i32 to index
        %get3A_266 = arith.constant 48 : index
        %get3A_267 = tpu.vector_load %arg7[%get3A_265, %get3A_266] {strides = array<i32>} : memref<128x128xf32, #tpu.memory_space<vmem>>, vector<1x16xf32>,
        %get3A_268 = vector.shape_cast %get3A_267 : vector<1x16xf32> to vector<16xf32>
        %mul3A_269 = arith.constant 8.000000e+00 : f32
        %mul3A_270 = vector.broadcast %mul3A_269 : f32 to vector<16xf32>
        %mul3A_271 = arith.mulf %get3A_268, %mul3A_270 : vector<16xf32>
        %swap3A_272 = arith.index_cast %scan3A_230 : i32 to index
        %swap3A_273 = arith.constant 48 : index
        %swap3A_274 = tpu.vector_load %arg9[%swap3A_272, %swap3A_273] {strides = array<i32>} : memref<128x64xf32, #tpu.memory_space<vmem>>, vector<1x16xf32>,
        %swap3A_275 = vector.shape_cast %swap3A_274 : vector<1x16xf32> to vector<16xf32>
        %swap3A_276 = vector.shape_cast %mul3A_271 : vector<16xf32> to vector<1x16xf32>
        tpu.vector_store %arg9[%swap3A_272, %swap3A_273], %swap3A_276 {strides = array<i32>} : memref<128x64xf32, #tpu.memory_space<vmem>>, vector<1x16xf32>,
      }
      %scan3A_214 = arith.constant 128 : i32
      %add3A_215 = arith.addi %mul3A_2, %add3A_193 : i32
      %mul3A_216 = arith.constant 128 : i32
      %mul3A_217 = arith.muli %add3A_215, %mul3A_216 : i32
      %dma_start3A_218 = arith.constant 0 : i32
      %dma_start3A_219 = tpu.memref_slice %arg4[%mul3A_217, %dma_start3A_218] : memref<819200x64xf32, #tpu.memory_space<hbm>> -> memref<128x64xf32, #tpu.memory_space<hbm>>
      %dma_start3A_220 = arith.constant 0 : i32
      %dma_start3A_221 = tpu.memref_slice %arg4[%mul3A_217, %dma_start3A_220] : memref<819200x64xf32, #tpu.memory_space<hbm>> -> memref<128x64xf32, #tpu.memory_space<hbm>>
      tpu.enqueue_dma source(%arg9 : memref<128x64xf32, #tpu.memory_space<vmem>>) target(%dma_start3A_221 : memref<128x64xf32, #tpu.memory_space<hbm>>) target_semaphore(%arg13 : memref<!tpu.dma_semaphore, #tpu.memory_space<semaphore_mem>>)
      %add3A_222 = arith.constant 2 : i32
      %add3A_223 = arith.addi %add3A_193, %add3A_222 : i32
      %dma_start3A_224 = arith.constant 0 : i32
      %dma_start3A_225 = tpu.memref_slice %arg5[%add3A_223, %dma_start3A_224] : memref<200x128xi32, #tpu.memory_space<vmem>> -> memref<1x128xi32, #tpu.memory_space<vmem>>
      %dma_start3A_226 = tpu.memref_squeeze %dma_start3A_225 : memref<1x128xi32, #tpu.memory_space<vmem>> -> memref<128xi32, #tpu.memory_space<vmem>>
      %dma_start3A_227 = arith.constant 0 : i32
      %dma_start3A_228 = arith.constant 0 : i32
      %dma_start3A_229 = tpu.memref_slice %arg3[%dma_start3A_227, %dma_start3A_228] : memref<1000000x128xf32, #tpu.memory_space<hbm>> -> memref<1000000x128xf32, #tpu.memory_space<hbm>>
      tpu.enqueue_indirect_dma source(%dma_start3A_229 : memref<1000000x128xf32, #tpu.memory_space<hbm>>) target(%arg7 : memref<128x128xf32, #tpu.memory_space<vmem>>) offsets(%dma_start3A_226 : memref<128xi32, #tpu.memory_space<vmem>>) semaphore(%arg11 : memref<!tpu.dma_semaphore, #tpu.memory_space<semaphore_mem>>)
    }
    %scan3A_75 = arith.constant 98 : i32
    %dma_wait3A_76 = arith.constant 198 : i32
    %dma_wait3A_77 = arith.constant 0 : i32
    %dma_wait3A_78 = tpu.memref_slice %arg5[%dma_wait3A_76, %dma_wait3A_77] : memref<200x128xi32, #tpu.memory_space<vmem>> -> memref<1x128xi32, #tpu.memory_space<vmem>>
    %dma_wait3A_79 = tpu.memref_squeeze %dma_wait3A_78 : memref<1x128xi32, #tpu.memory_space<vmem>> -> memref<128xi32, #tpu.memory_space<vmem>>
    %dma_wait3A_80 = arith.constant 0 : i32
    %dma_wait3A_81 = arith.constant 0 : i32
    %dma_wait3A_82 = tpu.memref_slice %arg3[%dma_wait3A_80, %dma_wait3A_81] : memref<1000000x128xf32, #tpu.memory_space<hbm>> -> memref<1000000x128xf32, #tpu.memory_space<hbm>>
    tpu.wait_indirect_dma semaphore(%arg10 : memref<!tpu.dma_semaphore, #tpu.memory_space<semaphore_mem>>) src(%dma_wait3A_82 : memref<1000000x128xf32, #tpu.memory_space<hbm>>) dst(%arg6 : memref<128x128xf32, #tpu.memory_space<vmem>>)
    %add3A_83 = arith.constant 196 : i32
    %add3A_84 = arith.addi %mul3A_2, %add3A_83 : i32
    %mul3A_85 = arith.constant 128 : i32
    %mul3A_86 = arith.muli %add3A_84, %mul3A_85 : i32
    %dma_wait3A_87 = arith.constant 0 : i32
    %dma_wait3A_88 = tpu.memref_slice %arg4[%mul3A_86, %dma_wait3A_87] : memref<819200x64xf32, #tpu.memory_space<hbm>> -> memref<128x64xf32, #tpu.memory_space<hbm>>
    %dma_wait3A_89 = arith.constant 0 : i32
    %dma_wait3A_90 = tpu.memref_slice %arg4[%mul3A_86, %dma_wait3A_89] : memref<819200x64xf32, #tpu.memory_space<hbm>> -> memref<128x64xf32, #tpu.memory_space<hbm>>
    tpu.wait_dma2 semaphore(%arg12 : memref<!tpu.dma_semaphore, #tpu.memory_space<semaphore_mem>>) src(%arg8 : memref<128x64xf32, #tpu.memory_space<vmem>>) dst(%dma_wait3A_90 : memref<128x64xf32, #tpu.memory_space<hbm>>)
    %scan3A_91 = arith.constant 0 : i32
    %scan3A_92 = arith.constant 0 : i32
    %scan3A_93 = arith.constant 128 : i32
    %scan3A_94 = arith.addi %scan3A_92, %scan3A_93 : i32
    %scan3A_95 = arith.constant 1 : i32
    scf.for %scan3A_150 = %scan3A_92 to %scan3A_94 step %scan3A_95  : i32 {
      %get3A = arith.index_cast %scan3A_150 : i32 to index
      %get3A_151 = arith.constant 0 : index
      %get3A_152 = tpu.vector_load %arg6[%get3A, %get3A_151] {strides = array<i32>} : memref<128x128xf32, #tpu.memory_space<vmem>>, vector<1x16xf32>,
      %get3A_153 = vector.shape_cast %get3A_152 : vector<1x16xf32> to vector<16xf32>
      %mul3A_154 = arith.constant 8.000000e+00 : f32
      %mul3A_155 = vector.broadcast %mul3A_154 : f32 to vector<16xf32>
      %mul3A_156 = arith.mulf %get3A_153, %mul3A_155 : vector<16xf32>
      %swap3A = arith.index_cast %scan3A_150 : i32 to index
      %swap3A_157 = arith.constant 0 : index
      %swap3A_158 = tpu.vector_load %arg8[%swap3A, %swap3A_157] {strides = array<i32>} : memref<128x64xf32, #tpu.memory_space<vmem>>, vector<1x16xf32>,
      %swap3A_159 = vector.shape_cast %swap3A_158 : vector<1x16xf32> to vector<16xf32>
      %swap3A_160 = vector.shape_cast %mul3A_156 : vector<16xf32> to vector<1x16xf32>
      tpu.vector_store %arg8[%swap3A, %swap3A_157], %swap3A_160 {strides = array<i32>} : memref<128x64xf32, #tpu.memory_space<vmem>>, vector<1x16xf32>,
      %get3A_161 = arith.index_cast %scan3A_150 : i32 to index
      %get3A_162 = arith.constant 16 : index
      %get3A_163 = tpu.vector_load %arg6[%get3A_161, %get3A_162] {strides = array<i32>} : memref<128x128xf32, #tpu.memory_space<vmem>>, vector<1x16xf32>,
      %get3A_164 = vector.shape_cast %get3A_163 : vector<1x16xf32> to vector<16xf32>
      %mul3A_165 = arith.constant 8.000000e+00 : f32
      %mul3A_166 = vector.broadcast %mul3A_165 : f32 to vector<16xf32>
      %mul3A_167 = arith.mulf %get3A_164, %mul3A_166 : vector<16xf32>
      %swap3A_168 = arith.index_cast %scan3A_150 : i32 to index
      %swap3A_169 = arith.constant 16 : index
      %swap3A_170 = tpu.vector_load %arg8[%swap3A_168, %swap3A_169] {strides = array<i32>} : memref<128x64xf32, #tpu.memory_space<vmem>>, vector<1x16xf32>,
      %swap3A_171 = vector.shape_cast %swap3A_170 : vector<1x16xf32> to vector<16xf32>
      %swap3A_172 = vector.shape_cast %mul3A_167 : vector<16xf32> to vector<1x16xf32>
      tpu.vector_store %arg8[%swap3A_168, %swap3A_169], %swap3A_172 {strides = array<i32>} : memref<128x64xf32, #tpu.memory_space<vmem>>, vector<1x16xf32>,
      %get3A_173 = arith.index_cast %scan3A_150 : i32 to index
      %get3A_174 = arith.constant 32 : index
      %get3A_175 = tpu.vector_load %arg6[%get3A_173, %get3A_174] {strides = array<i32>} : memref<128x128xf32, #tpu.memory_space<vmem>>, vector<1x16xf32>,
      %get3A_176 = vector.shape_cast %get3A_175 : vector<1x16xf32> to vector<16xf32>
      %mul3A_177 = arith.constant 8.000000e+00 : f32
      %mul3A_178 = vector.broadcast %mul3A_177 : f32 to vector<16xf32>
      %mul3A_179 = arith.mulf %get3A_176, %mul3A_178 : vector<16xf32>
      %swap3A_180 = arith.index_cast %scan3A_150 : i32 to index
      %swap3A_181 = arith.constant 32 : index
      %swap3A_182 = tpu.vector_load %arg8[%swap3A_180, %swap3A_181] {strides = array<i32>} : memref<128x64xf32, #tpu.memory_space<vmem>>, vector<1x16xf32>,
      %swap3A_183 = vector.shape_cast %swap3A_182 : vector<1x16xf32> to vector<16xf32>
      %swap3A_184 = vector.shape_cast %mul3A_179 : vector<16xf32> to vector<1x16xf32>
      tpu.vector_store %arg8[%swap3A_180, %swap3A_181], %swap3A_184 {strides = array<i32>} : memref<128x64xf32, #tpu.memory_space<vmem>>, vector<1x16xf32>,
      %get3A_185 = arith.index_cast %scan3A_150 : i32 to index
      %get3A_186 = arith.constant 48 : index
      %get3A_187 = tpu.vector_load %arg6[%get3A_185, %get3A_186] {strides = array<i32>} : memref<128x128xf32, #tpu.memory_space<vmem>>, vector<1x16xf32>,
      %get3A_188 = vector.shape_cast %get3A_187 : vector<1x16xf32> to vector<16xf32>
      %mul3A_189 = arith.constant 8.000000e+00 : f32
      %mul3A_190 = vector.broadcast %mul3A_189 : f32 to vector<16xf32>
      %mul3A_191 = arith.mulf %get3A_188, %mul3A_190 : vector<16xf32>
      %swap3A_192 = arith.index_cast %scan3A_150 : i32 to index
      %swap3A_193 = arith.constant 48 : index
      %swap3A_194 = tpu.vector_load %arg8[%swap3A_192, %swap3A_193] {strides = array<i32>} : memref<128x64xf32, #tpu.memory_space<vmem>>, vector<1x16xf32>,
      %swap3A_195 = vector.shape_cast %swap3A_194 : vector<1x16xf32> to vector<16xf32>
      %swap3A_196 = vector.shape_cast %mul3A_191 : vector<16xf32> to vector<1x16xf32>
      tpu.vector_store %arg8[%swap3A_192, %swap3A_193], %swap3A_196 {strides = array<i32>} : memref<128x64xf32, #tpu.memory_space<vmem>>, vector<1x16xf32>,
    }
    %scan3A_96 = arith.constant 128 : i32
    %add3A_97 = arith.constant 198 : i32
    %add3A_98 = arith.addi %mul3A_2, %add3A_97 : i32
    %mul3A_99 = arith.constant 128 : i32
    %mul3A_100 = arith.muli %add3A_98, %mul3A_99 : i32
    %dma_start3A_101 = arith.constant 0 : i32
    %dma_start3A_102 = tpu.memref_slice %arg4[%mul3A_100, %dma_start3A_101] : memref<819200x64xf32, #tpu.memory_space<hbm>> -> memref<128x64xf32, #tpu.memory_space<hbm>>
    %dma_start3A_103 = arith.constant 0 : i32
    %dma_start3A_104 = tpu.memref_slice %arg4[%mul3A_100, %dma_start3A_103] : memref<819200x64xf32, #tpu.memory_space<hbm>> -> memref<128x64xf32, #tpu.memory_space<hbm>>
    tpu.enqueue_dma source(%arg8 : memref<128x64xf32, #tpu.memory_space<vmem>>) target(%dma_start3A_104 : memref<128x64xf32, #tpu.memory_space<hbm>>) target_semaphore(%arg12 : memref<!tpu.dma_semaphore, #tpu.memory_space<semaphore_mem>>)
    %dma_wait3A_105 = arith.constant 199 : i32
    %dma_wait3A_106 = arith.constant 0 : i32
    %dma_wait3A_107 = tpu.memref_slice %arg5[%dma_wait3A_105, %dma_wait3A_106] : memref<200x128xi32, #tpu.memory_space<vmem>> -> memref<1x128xi32, #tpu.memory_space<vmem>>
    %dma_wait3A_108 = tpu.memref_squeeze %dma_wait3A_107 : memref<1x128xi32, #tpu.memory_space<vmem>> -> memref<128xi32, #tpu.memory_space<vmem>>
    %dma_wait3A_109 = arith.constant 0 : i32
    %dma_wait3A_110 = arith.constant 0 : i32
    %dma_wait3A_111 = tpu.memref_slice %arg3[%dma_wait3A_109, %dma_wait3A_110] : memref<1000000x128xf32, #tpu.memory_space<hbm>> -> memref<1000000x128xf32, #tpu.memory_space<hbm>>
    tpu.wait_indirect_dma semaphore(%arg11 : memref<!tpu.dma_semaphore, #tpu.memory_space<semaphore_mem>>) src(%dma_wait3A_111 : memref<1000000x128xf32, #tpu.memory_space<hbm>>) dst(%arg7 : memref<128x128xf32, #tpu.memory_space<vmem>>)
    %add3A_112 = arith.constant 197 : i32
    %add3A_113 = arith.addi %mul3A_2, %add3A_112 : i32
    %mul3A_114 = arith.constant 128 : i32
    %mul3A_115 = arith.muli %add3A_113, %mul3A_114 : i32
    %dma_wait3A_116 = arith.constant 0 : i32
    %dma_wait3A_117 = tpu.memref_slice %arg4[%mul3A_115, %dma_wait3A_116] : memref<819200x64xf32, #tpu.memory_space<hbm>> -> memref<128x64xf32, #tpu.memory_space<hbm>>
    %dma_wait3A_118 = arith.constant 0 : i32
    %dma_wait3A_119 = tpu.memref_slice %arg4[%mul3A_115, %dma_wait3A_118] : memref<819200x64xf32, #tpu.memory_space<hbm>> -> memref<128x64xf32, #tpu.memory_space<hbm>>
    tpu.wait_dma2 semaphore(%arg13 : memref<!tpu.dma_semaphore, #tpu.memory_space<semaphore_mem>>) src(%arg9 : memref<128x64xf32, #tpu.memory_space<vmem>>) dst(%dma_wait3A_119 : memref<128x64xf32, #tpu.memory_space<hbm>>)
    %scan3A_120 = arith.constant 0 : i32
    %scan3A_121 = arith.constant 0 : i32
    %scan3A_122 = arith.constant 128 : i32
    %scan3A_123 = arith.addi %scan3A_121, %scan3A_122 : i32
    %scan3A_124 = arith.constant 1 : i32
    scf.for %scan3A_150 = %scan3A_121 to %scan3A_123 step %scan3A_124  : i32 {
      %get3A = arith.index_cast %scan3A_150 : i32 to index
      %get3A_151 = arith.constant 0 : index
      %get3A_152 = tpu.vector_load %arg7[%get3A, %get3A_151] {strides = array<i32>} : memref<128x128xf32, #tpu.memory_space<vmem>>, vector<1x16xf32>,
      %get3A_153 = vector.shape_cast %get3A_152 : vector<1x16xf32> to vector<16xf32>
      %mul3A_154 = arith.constant 8.000000e+00 : f32
      %mul3A_155 = vector.broadcast %mul3A_154 : f32 to vector<16xf32>
      %mul3A_156 = arith.mulf %get3A_153, %mul3A_155 : vector<16xf32>
      %swap3A = arith.index_cast %scan3A_150 : i32 to index
      %swap3A_157 = arith.constant 0 : index
      %swap3A_158 = tpu.vector_load %arg9[%swap3A, %swap3A_157] {strides = array<i32>} : memref<128x64xf32, #tpu.memory_space<vmem>>, vector<1x16xf32>,
      %swap3A_159 = vector.shape_cast %swap3A_158 : vector<1x16xf32> to vector<16xf32>
      %swap3A_160 = vector.shape_cast %mul3A_156 : vector<16xf32> to vector<1x16xf32>
      tpu.vector_store %arg9[%swap3A, %swap3A_157], %swap3A_160 {strides = array<i32>} : memref<128x64xf32, #tpu.memory_space<vmem>>, vector<1x16xf32>,
      %get3A_161 = arith.index_cast %scan3A_150 : i32 to index
      %get3A_162 = arith.constant 16 : index
      %get3A_163 = tpu.vector_load %arg7[%get3A_161, %get3A_162] {strides = array<i32>} : memref<128x128xf32, #tpu.memory_space<vmem>>, vector<1x16xf32>,
      %get3A_164 = vector.shape_cast %get3A_163 : vector<1x16xf32> to vector<16xf32>
      %mul3A_165 = arith.constant 8.000000e+00 : f32
      %mul3A_166 = vector.broadcast %mul3A_165 : f32 to vector<16xf32>
      %mul3A_167 = arith.mulf %get3A_164, %mul3A_166 : vector<16xf32>
      %swap3A_168 = arith.index_cast %scan3A_150 : i32 to index
      %swap3A_169 = arith.constant 16 : index
      %swap3A_170 = tpu.vector_load %arg9[%swap3A_168, %swap3A_169] {strides = array<i32>} : memref<128x64xf32, #tpu.memory_space<vmem>>, vector<1x16xf32>,
      %swap3A_171 = vector.shape_cast %swap3A_170 : vector<1x16xf32> to vector<16xf32>
      %swap3A_172 = vector.shape_cast %mul3A_167 : vector<16xf32> to vector<1x16xf32>
      tpu.vector_store %arg9[%swap3A_168, %swap3A_169], %swap3A_172 {strides = array<i32>} : memref<128x64xf32, #tpu.memory_space<vmem>>, vector<1x16xf32>,
      %get3A_173 = arith.index_cast %scan3A_150 : i32 to index
      %get3A_174 = arith.constant 32 : index
      %get3A_175 = tpu.vector_load %arg7[%get3A_173, %get3A_174] {strides = array<i32>} : memref<128x128xf32, #tpu.memory_space<vmem>>, vector<1x16xf32>,
      %get3A_176 = vector.shape_cast %get3A_175 : vector<1x16xf32> to vector<16xf32>
      %mul3A_177 = arith.constant 8.000000e+00 : f32
      %mul3A_178 = vector.broadcast %mul3A_177 : f32 to vector<16xf32>
      %mul3A_179 = arith.mulf %get3A_176, %mul3A_178 : vector<16xf32>
      %swap3A_180 = arith.index_cast %scan3A_150 : i32 to index
      %swap3A_181 = arith.constant 32 : index
      %swap3A_182 = tpu.vector_load %arg9[%swap3A_180, %swap3A_181] {strides = array<i32>} : memref<128x64xf32, #tpu.memory_space<vmem>>, vector<1x16xf32>,
      %swap3A_183 = vector.shape_cast %swap3A_182 : vector<1x16xf32> to vector<16xf32>
      %swap3A_184 = vector.shape_cast %mul3A_179 : vector<16xf32> to vector<1x16xf32>
      tpu.vector_store %arg9[%swap3A_180, %swap3A_181], %swap3A_184 {strides = array<i32>} : memref<128x64xf32, #tpu.memory_space<vmem>>, vector<1x16xf32>,
      %get3A_185 = arith.index_cast %scan3A_150 : i32 to index
      %get3A_186 = arith.constant 48 : index
      %get3A_187 = tpu.vector_load %arg7[%get3A_185, %get3A_186] {strides = array<i32>} : memref<128x128xf32, #tpu.memory_space<vmem>>, vector<1x16xf32>,
      %get3A_188 = vector.shape_cast %get3A_187 : vector<1x16xf32> to vector<16xf32>
      %mul3A_189 = arith.constant 8.000000e+00 : f32
      %mul3A_190 = vector.broadcast %mul3A_189 : f32 to vector<16xf32>
      %mul3A_191 = arith.mulf %get3A_188, %mul3A_190 : vector<16xf32>
      %swap3A_192 = arith.index_cast %scan3A_150 : i32 to index
      %swap3A_193 = arith.constant 48 : index
      %swap3A_194 = tpu.vector_load %arg9[%swap3A_192, %swap3A_193] {strides = array<i32>} : memref<128x64xf32, #tpu.memory_space<vmem>>, vector<1x16xf32>,
      %swap3A_195 = vector.shape_cast %swap3A_194 : vector<1x16xf32> to vector<16xf32>
      %swap3A_196 = vector.shape_cast %mul3A_191 : vector<16xf32> to vector<1x16xf32>
      tpu.vector_store %arg9[%swap3A_192, %swap3A_193], %swap3A_196 {strides = array<i32>} : memref<128x64xf32, #tpu.memory_space<vmem>>, vector<1x16xf32>,
    }
    %scan3A_125 = arith.constant 128 : i32
    %add3A_126 = arith.constant 199 : i32
    %add3A_127 = arith.addi %mul3A_2, %add3A_126 : i32
    %mul3A_128 = arith.constant 128 : i32
    %mul3A_129 = arith.muli %add3A_127, %mul3A_128 : i32
    %dma_start3A_130 = arith.constant 0 : i32
    %dma_start3A_131 = tpu.memref_slice %arg4[%mul3A_129, %dma_start3A_130] : memref<819200x64xf32, #tpu.memory_space<hbm>> -> memref<128x64xf32, #tpu.memory_space<hbm>>
    %dma_start3A_132 = arith.constant 0 : i32
    %dma_start3A_133 = tpu.memref_slice %arg4[%mul3A_129, %dma_start3A_132] : memref<819200x64xf32, #tpu.memory_space<hbm>> -> memref<128x64xf32, #tpu.memory_space<hbm>>
    tpu.enqueue_dma source(%arg9 : memref<128x64xf32, #tpu.memory_space<vmem>>) target(%dma_start3A_133 : memref<128x64xf32, #tpu.memory_space<hbm>>) target_semaphore(%arg13 : memref<!tpu.dma_semaphore, #tpu.memory_space<semaphore_mem>>)
    %add3A_134 = arith.constant 198 : i32
    %add3A_135 = arith.addi %mul3A_2, %add3A_134 : i32
    %mul3A_136 = arith.constant 128 : i32
    %mul3A_137 = arith.muli %add3A_135, %mul3A_136 : i32
    %dma_wait3A_138 = arith.constant 0 : i32
    %dma_wait3A_139 = tpu.memref_slice %arg4[%mul3A_137, %dma_wait3A_138] : memref<819200x64xf32, #tpu.memory_space<hbm>> -> memref<128x64xf32, #tpu.memory_space<hbm>>
    %dma_wait3A_140 = arith.constant 0 : i32
    %dma_wait3A_141 = tpu.memref_slice %arg4[%mul3A_137, %dma_wait3A_140] : memref<819200x64xf32, #tpu.memory_space<hbm>> -> memref<128x64xf32, #tpu.memory_space<hbm>>
    tpu.wait_dma2 semaphore(%arg12 : memref<!tpu.dma_semaphore, #tpu.memory_space<semaphore_mem>>) src(%arg8 : memref<128x64xf32, #tpu.memory_space<vmem>>) dst(%dma_wait3A_141 : memref<128x64xf32, #tpu.memory_space<hbm>>)
    %add3A_142 = arith.constant 199 : i32
    %add3A_143 = arith.addi %mul3A_2, %add3A_142 : i32
    %mul3A_144 = arith.constant 128 : i32
    %mul3A_145 = arith.muli %add3A_143, %mul3A_144 : i32
    %dma_wait3A_146 = arith.constant 0 : i32
    %dma_wait3A_147 = tpu.memref_slice %arg4[%mul3A_145, %dma_wait3A_146] : memref<819200x64xf32, #tpu.memory_space<hbm>> -> memref<128x64xf32, #tpu.memory_space<hbm>>
    %dma_wait3A_148 = arith.constant 0 : i32
    %dma_wait3A_149 = tpu.memref_slice %arg4[%mul3A_145, %dma_wait3A_148] : memref<819200x64xf32, #tpu.memory_space<hbm>> -> memref<128x64xf32, #tpu.memory_space<hbm>>
    tpu.wait_dma2 semaphore(%arg13 : memref<!tpu.dma_semaphore, #tpu.memory_space<semaphore_mem>>) src(%arg9 : memref<128x64xf32, #tpu.memory_space<vmem>>) dst(%dma_wait3A_149 : memref<128x64xf32, #tpu.memory_space<hbm>>)
    return
  }
}

</mosaic_0001>

<sc_bundles>
// kernel: kernel.3.cloned.1.call-start
scs
__scs_entry_jumppad:
0x0: {  	(pc) =	sbr.rel $0x88, $3  }
0x1: {  	(tag) =	ssettag $0x0;
	lr =	simm.s32 $0x1  }
0x2: {  	[smem:$0x3F9F] =	sst lr;
	_ =	strace $0xD0000000  }
0x3: {  	_ = 	snop  }
0x4: {  	_ = 	snop  }
0x5: {  	_ = 	snop  }
0x6: {  	_ = 	snop  }
0x7: {  	_ = 	snop  }
__scs_overlays_trampoline_lowered:
0x8: {  	[smem:$0x3FAE] =	sst s0  }
0x9: {  	[smem:$0x3FAF] =	sst s1  }
0xa: {  	[smem:$0x3FB0] =	sst s2  }
0xb: {  	[smem:$0x3FB1] =	sst s3  }
0xc: {  	[smem:$0x3FB2] =	sst s4  }
0xd: {  	[smem:$0x3FB3] =	sst s5  }
0xe: {  	[smem:$0x3FB4] =	sst s6  }
0xf: {  	[smem:$0x3FB5] =	sst s7  }
0x10: {  	[smem:$0x3FB6] =	sst s8  }
0x11: {  	[smem:$0x3FB7] =	sst s9;
	s0 =	simm.s32 @!p0 $0x0  }
0x12: {  	s1 =	sld [smem:$0x3F9D];
	s0 =	simm.s32 @p0 $0x1  }
0x13: {  	[smem:$0x3FB8] =	sst s0;
	s0 =	simm.s32 @!p1 $0x0  }
0x14: {  	s2 =	sld [smem:$0x3F9C];
	s0 =	simm.s32 @p1 $0x1  }
0x15: {  	[smem:$0x3FB9] =	sst s0;
	s0 =	simm.s32 @!p2 $0x0  }
0x16: {  	s3 =	sld [smem:$0x3FDB];
	s0 =	simm.s32 @p2 $0x1  }
0x17: {  	s4 =	simm.s32 $0x1BF5;
	[smem:$0x3FBB] =	sst s0  }
0x18: {  	s0 =	sld [smem:$0x3F9E];
	_ =	swait.ge [sflag:s4], $0x0  }
0x19: {  	s7 =	sld [smem:$0x3F9F]  }
0x1a: {  	s8 =	sadd.s32 $0xFFFFE003, lr  }
0x1b: {  	s9 =	sadd.s32 $0xFFFFFEF7, lr;
	s5 =	simm.s32 $0xFFFFFFFF;
	p2 =	slt.u32 s8, $0xFFFFF086  }
0x1c: {  	p1 =	slt.u32 s9, $0xF7A;
	s5 =	simm.s32 @!p2 $0x0  }
0x1d: {  	s5 =	simm.s32 @p1 $0x1;
	p0 =	seq.s32 s7, s2  }
0x1e: {  	s7 =	smul.u32 @!p0 $0xF7A, s2;
	p2 =	seq.s32 @!p0 s5, $0x0  }
0x1f: {  	s9 =	smul.u32 $0xF7A, s1;
	s8 =	simm.s32 @!p0 $0x1BF5;
	p2 =	por !p2, p0  }
0x20: {  	[sflag:s8] =	ssyncset.s32 @!p0 $0xFFFFF086;
	s6 =	sadd.s32 @!p0 s3, s7;
	s7 =	simm.s32 @!p0 $0x108  }
0x21: {  	s3 =	sadd.s32 s3, s9;
	s6 =	sadd.s32 @!p0 $0x88, s6;
	s7 =	simm.s32 @p2 $0x1082  }
0x22: {  	[simem:s7], [sflag:s8] =	dma.local @!p0 [hbm:s6], $0xF7A  }
0x23: {  	s9 =	sor.u32 $0xD0000000, s2;
	s6 =	simm.s32 $0x108;
	_ =	swait.ge @!p0 [sflag:s8], $0x0  }
0x24: {  	s3 =	sadd.s32 $0x88, s3;
	s6 =	simm.s32 @!p1 $0x1082;
	[sflag:s4] =	ssyncset.s32 $0xFFFFF086  }
0x25: {  	[simem:s6], [sflag:s4] =	dma.local [hbm:s3], $0xF7A  }
0x26: {  	[smem:$0x3F9F] =	sst s1;
	(tag) =	ssettag s2;
	_ =	strace s9  }
0x27: {  	s1 =	sld [smem:$0x3FAF]  }
0x28: {  	s2 =	sld [smem:$0x3FB0]  }
0x29: {  	s4 =	sld [smem:$0x3FB2]  }
0x2a: {  	p0 =	seq.s32 s5, $0x0;
	s5 =	sld [smem:$0x3FB3]  }
0x2b: {  	s6 =	sld [smem:$0x3FB4]  }
0x2c: {  	s7 =	sld [smem:$0x3FB5]  }
0x2d: {  	s3 =	simm.s32 $0x108;
	s8 =	sld [smem:$0x3FB6]  }
0x2e: {  	s3 =	simm.s32 @!p0 $0x1082;
	s9 =	sld [smem:$0x3FB7]  }
0x2f: {  	lr =	sadd.s32 s0, s3;
	s0 =	sld [smem:$0x3FAE]  }
0x30: {  	s3 =	sld [smem:$0x3FB1]  }
0x31: {  	[smem:$0x3FBA] =	sst s10  }
0x32: {  	s10 =	sld [smem:$0x3FB8];
	_ =	sdelay $0x3  }
0x33: {  	p0 =	seq.s32 s10, $0x1;
	s10 =	sld [smem:$0x3FBA];
	_ =	sdelay $0x3  }
0x34: {  	[smem:$0x3FBA] =	sst s10  }
0x35: {  	s10 =	sld [smem:$0x3FB9];
	_ =	sdelay $0x3  }
0x36: {  	p1 =	seq.s32 s10, $0x1;
	s10 =	sld [smem:$0x3FBA];
	_ =	sdelay $0x3  }
0x37: {  	[smem:$0x3FBA] =	sst s10  }
0x38: {  	s10 =	sld [smem:$0x3FBB]  }
0x39: {  	_ = 	snop;
	(pc) =	sbr.ind lr, $3  }
0x3a: {  	_ = 	snop  }
0x3b: {  	_ = 	snop  }
0x3c: {  	p2 =	seq.s32 s10, $0x1;
	s10 =	sld [smem:$0x3FBA]  }
0x3d: {  	_ =	shalt  }
0x3e: {  	_ =	shalt  }
0x3f: {  	_ =	shalt  }
0x40: {  	_ =	shalt  }
0x41: {  	_ =	shalt  }
0x42: {  	_ =	shalt  }
0x43: {  	_ =	shalt  }
0x44: {  	_ =	shalt  }
0x45: {  	_ =	shalt  }
0x46: {  	_ =	shalt  }
0x47: {  	_ =	shalt  }
0x48: {  	_ =	shalt  }
0x49: {  	_ =	shalt  }
0x4a: {  	_ =	shalt  }
0x4b: {  	_ =	shalt  }
0x4c: {  	_ =	shalt  }
0x4d: {  	_ =	shalt  }
0x4e: {  	_ =	shalt  }
0x4f: {  	_ =	shalt  }
0x50: {  	_ =	shalt  }
0x51: {  	_ =	shalt  }
0x52: {  	_ =	shalt  }
0x53: {  	_ =	shalt  }
0x54: {  	_ =	shalt  }
0x55: {  	_ =	shalt  }
0x56: {  	_ =	shalt  }
0x57: {  	_ =	shalt  }
0x58: {  	_ =	shalt  }
0x59: {  	_ =	shalt  }
0x5a: {  	_ =	shalt  }
0x5b: {  	_ =	shalt  }
0x5c: {  	_ =	shalt  }
0x5d: {  	_ =	shalt  }
0x5e: {  	_ =	shalt  }
0x5f: {  	_ =	shalt  }
0x60: {  	_ =	shalt  }
0x61: {  	_ =	shalt  }
0x62: {  	_ =	shalt  }
0x63: {  	_ =	shalt  }
0x64: {  	_ =	shalt  }
0x65: {  	_ =	shalt  }
0x66: {  	_ =	shalt  }
0x67: {  	_ =	shalt  }
0x68: {  	_ =	shalt  }
0x69: {  	_ =	shalt  }
0x6a: {  	_ =	shalt  }
0x6b: {  	_ =	shalt  }
0x6c: {  	_ =	shalt  }
0x6d: {  	_ =	shalt  }
0x6e: {  	_ =	shalt  }
0x6f: {  	_ =	shalt  }
0x70: {  	_ =	shalt  }
0x71: {  	_ =	shalt  }
0x72: {  	_ =	shalt  }
0x73: {  	_ =	shalt  }
0x74: {  	_ =	shalt  }
0x75: {  	_ =	shalt  }
0x76: {  	_ =	shalt  }
0x77: {  	_ =	shalt  }
0x78: {  	_ =	shalt  }
0x79: {  	_ =	shalt  }
0x7a: {  	_ =	shalt  }
0x7b: {  	_ =	shalt  }
0x7c: {  	_ =	shalt  }
0x7d: {  	_ =	shalt  }
0x7e: {  	_ =	shalt  }
0x7f: {  	_ =	shalt  }
0x80: {  	_ =	shalt  }
0x81: {  	_ =	shalt  }
0x82: {  	_ =	shalt  }
0x83: {  	_ =	shalt  }
0x84: {  	_ =	shalt  }
0x85: {  	_ =	shalt  }
0x86: {  	_ =	shalt  }
0x87: {  	_ =	shalt  }
.Lfunc_end0:
.L_simem_size_0:
called_computation.1_lowered:
.L_overlay_start_0:
0x88: {  	s2 =	sld [smem:$0x3FD9]  }
0x89: {  	s3 =	sld [smem:$0x3FFE];
	_ =	sdelay $0x1  }
0x8a: {  	s1 =	srdreg.scid  }
0x8b: {  	s0 =	sand.u32 $0x1, s1  }
0x8c: {  	s17 =	sshll.u32 s0, $0xA;
	s2 =	sadd.s32 s3, s2  }
0x8d: {  	s2 =	sadd.s32 s2, s17  }
0x8e: {  	[smem:$0x3FC6] =	sst s2  }
0x8f: {  	_ = 	snop  }
0x90: {  	s2 =	sld [smem:$0x3FD0];
	(tm) =	ssettm $0x1  }
0x91: {  	s18 =	sld [smem:$0x3FFB];
	_ =	sdelay $0x3  }
0x92: {  	_ =	strace s18  }
0x93: {  	s3 =	sld [smem:$0x3FFC];
	_ =	sdelay $0x3  }
0x94: {  	_ =	strace s3  }
0x95: {  	s3 =	sld [smem:$0x3FFD];
	_ =	sdelay $0x3  }
0x96: {  	_ =	strace s3  }
0x97: {  	_ =	strace $0x8FFFFFFF  }
0x98: {  	s19 =	sld [smem:$0x3FDB];
	_ =	sdelay $0x1  }
0x99: {  	s4 =	simm.s32 $_scs_section_size  }
0x9a: {  	s5 =	simm.s32 $_size__tile_overlayer_lowered;
	s6 =	simm.s32 $_tile_overlayer_lowered  }
0x9b: {  	s22 =	simm.s32 $0x1BFF;
	s21 =	sshll.u32 s6, $0x1;
	s3 =	sadd.s32 s4, s19  }
0x9c: {  	s7 =	simm.s32 $0x0;
	s20 =	sshll.u32 s5, $0x1;
	s5 =	sadd.s32 s21, s3  }
0x9d: {  	[timem:s7], [sflag:s22] =	dma.local [hbm:s5], s20  }
0x9e: {  	_ =	swait.ge [sflag:s22], s20  }
0x9f: {  	s4 =	ssub.s32 $0x0, s20;
	[sflag:s22] =	ssyncset.done $0x0  }
0xa0: {  	[sflag:s22] =	ssyncadd.s32 s4;
	_ =	sdelay $0x1  }
0xa1: {  	s23 =	simm.s32 $0x1B8B  }
0xa2: {  	_ =	swait.ge [sflag:s23], $0x1  }
0xa3: {  	[sflag:s23] =	ssyncset.done $0x0  }
0xa4: {  	s25 =	simm.s32 $0x1B8E;
	s24 =	sld [smem:$0x3FFE];
	[sflag:s23] =	ssyncadd.s32 $0xFFFFFFFF  }
0xa5: {  	s26 =	simm.s32 $execute0_lowered;
	[smem:$0x3FD2] =	sst s25  }
0xa6: {  	s5 =	sshll.u32 s26, $0x1;
	_ =	strace $0x80000046;
	[dreg:$0x1] =	wrdreg $0xFFFFFFFF  }
0xa7: {  	s28 =	simm.s32 $_size_execute0_lowered;
	s3 =	sadd.s32 s3, s5;
	[dreg:$0x0] =	wrdreg $0x0  }
0xa8: {  	s5 =	sshll.u32 s28, $0x1;
	[dreg:$0x2] =	wrdreg s3  }
0xa9: {  	[dreg:$0x3] =	wrdreg s5  }
0xaa: {  	[dreg:$0x4] =	wrdreg $0xC0  }
0xab: {  	_ =	task [dreg:s7], $0x5FFFF  }
0xac: {  	[dreg:$0x1] =	wrdreg $0xFFFFFFFF  }
0xad: {  	[dreg:$0x0] =	wrdreg $0x60  }
0xae: {  	[dreg:$0x2] =	wrdreg s2  }
0xaf: {  	[dreg:$0x3] =	wrdreg s24  }
0xb0: {  	[dreg:$0x4] =	wrdreg $0x9  }
0xb1: {  	_ =	task.clear_ibuf [dreg:s7], $0x5FFFF;
	_ =	strace $0x90000046  }
0xb2: {  	s29 =	simm.s32 $0x9;
	_ =	strace $0x80000048  }
0xb3: {  	_ =	swait.ge [sflag:s29], $0x1  }
0xb4: {  	[sflag:s29] =	ssyncadd.s32 $0xFFFFFFFF  }
0xb5: {  	_ =	strace $0x90000048  }
0xb6: {  	_ =	sfence  }
0xb7: {  	s30 =	sld [smem:$0x0];
	_ =	sdelay $0x2  }
0xb8: {  	s31 =	sshll.u32 s1, $0xD;
	s1 =	sshrl.u32 s1, $0x2  }
0xb9: {  	s3 =	sand.u32 $0x4000, s31;
	s1 =	sadd.s32 s1, s30  }
0xba: {  	s0 =	sor.u32 s3, s0;
	s1 =	sshll.u32 s1, $0x11  }
0xbb: {  	s0 =	sor.u32 s1, s0  }
0xbc: {  	s0 =	sadd.s32 $0x8F2B, s0  }
0xbd: {  	[sflag:s0] =	ssyncadd.remote.s32 $0x1  }
0xbe: {  	_ =	sfence.sel $0xFFFF  }
0xbf: {  	[dreg:$0x0] =	wrdreg $0xFFFFFFFF;
	(pc) =	sbr.abs _section_cstart, $3  }
0xc0: {  	[dreg:$0x1] =	wrdreg $0xFFFFFFFF  }
0xc1: {  	_ =	task.clear_ibuf [dreg:s7], $0x2FFFF;
	_ =	strace $0x9FFFFFFF  }
0xc2: {  	(tm) =	ssettm $0x7FFFFFFF  }
0xc3: {  	_ =	shalt  }
tec
execute0_lowered:
.L_overlay_start_1:
0x0: {  	(tag) =	ssettag $0x1  }
0x1: {  	s6 =	rddreg [dreg:$0x0]  }
0x2: {  	s4 =	rddreg [dreg:$0x1]  }
0x3: {  	s3 =	srdreg.scid;
	s1 =	stileid.u32;
	s2 =	simm.s32 $0x0  }
0x4: {  	s13 =	simm.s32 $0x5;
	s14 =	simm.s32 $0x80;
	s15 =	simm.s32 $0x6400  }
0x5: {  	s16 =	simm.s32 $0xA400;
	s17 =	simm.s32 $0x1;
	s18 =	simm.s32 $0xE400  }
0x6: {  	s19 =	simm.s32 $0x100;
	s20 =	simm.s32 $0x2;
	s21 =	simm.s32 $0x12400  }
0x7: {  	s22 =	simm.s32 $0x180;
	s5 =	sand.u32 $0x1, s3;
	s30 =	sshll.u32 s1, $0x1  }
0x8: {  	s23 =	simm.s32 $0x3;
	s24 =	simm.s32 $0x4;
	s7 =	sor.u32 s5, s30  }
0x9: {  	s25 =	simm.s32 $0x0;
	[smem:$0x7FF] =	sst s2;
	s8 =	smul.u32 $0xC80, s7  }
0xa: {  	s3 =	sadd.s32 $0xF42E00, s4;
	s5 =	ssub.s32 $0x2, s5;
	s9 =	smul.u32 $0x320000, s7  }
0xb: {  	s4 =	sadd.s32 $0xA00, s4;
	s10 =	sshrl.u32 s5, $0x1;
	s11 =	smul.u32 $0x64000, s7  }
0xc: {  	_ =	strace $0x80000047;
	s12 =	ssub.s32 s5, s10;
	s5 =	smul.u32 $0xC8, s7  }
0xd: {  	s9 =	sshrl.u32 s9, $0x3;
	s6 =	sadd.s32 s6, s8;
	s7 =	sadd.s32 s4, s11  }
0xe: {  	s12 =	smax.u32 s12, $0x1;
	s31 =	sadd.s32 s4, s9;
	s8 =	sadd.s32 $0x800, s7  }
0xf: {  	s9 =	sor.u32 $0x1, s5;
	s10 =	sadd.s32 $0x63000, s31;
	s11 =	sadd.s32 $0x63800, s31  }
.LBB2_1:
0x10: {  	[tilespmem:s2], [sflag:$0x5] =	stream.linear.gather [hbm4b:s6+s2], $0x6400, $0x38;
	[tilespmem:$0x16400] =	vst v63  }
0x11: {  	_ =	swait.ge [sflag:s13], $0x6400  }
0x12: {  	[sflag:s13] =	ssyncset.done $0x0  }
0x13: {  	[sflag:s13] =	ssyncadd.s32 $0xFFFF9C00  }
0x14: {  	[tilespmem:s15], [sflag:$0x1] =	stream.indirect.gather [hbm4b:s3+s14], $0x80, s2, s14, $0xb8;
	[tilespmem:$0x16400] =	vst v63  }
0x15: {  	_ = 	snop  }
0x16: {  	[tilespmem:s16], [sflag:$0x2] =	stream.indirect.gather [hbm4b:s3+s14], $0x80, s14, s14, $0xb8;
	[tilespmem:$0x16400] =	vst v63  }
0x17: {  	_ =	swait.ge [sflag:s17], $0x4000  }
0x18: {  	[sflag:s17] =	ssyncset.done $0x0  }
0x19: {  	s26 =	simm.s32 $0x0;
	[sflag:s17] =	ssyncadd.s32 $0xFFFFC000  }
0x1a: {  	v1 =	vld [tilespmem:s26+$0x6430]  }
0x1b: {  	v2 =	vld [tilespmem:s26+$0x6400]  }
0x1c: {  	v3 =	vld [tilespmem:s26+$0x6410]  }
0x1d: {  	v0 =	vld [tilespmem:s26+$0x6420]  }
0x1e: {  	s28 =	simm.s32 $0x200  }
.LBB2_2:
0x1f: {  	s29 =	sshra.s32 s28, $0x2;
	p0 =	sne.s32 s28, $0xFE00;
	s28 =	sadd.s32 $0x200, s28;
	v4 =	vmul.f32 $8.000000000e+00, v1  }
.Ltmp0:
0x20: {  	v1 =	vld [tilespmem:s29+$0x6430];
	v5 =	vmul.f32 $8.000000000e+00, v2;
	(pc) =	sbr.rel @p0 .LBB2_2-.Ltmp0, $4  }
0x21: {  	v2 =	vld [tilespmem:s29+$0x6400];
	v6 =	vmul.f32 $8.000000000e+00, v3;
	[tilespmem:s26+$0xE430] =	vst v4  }
0x22: {  	v3 =	vld [tilespmem:s29+$0x6410];
	[tilespmem:s26+$0xE400] =	vst v5;
	v4 =	vmul.f32 $8.000000000e+00, v0  }
0x23: {  	v0 =	vld [tilespmem:s29+$0x6420];
	[tilespmem:s26+$0xE410] =	vst v6  }
0x24: {  	[tilespmem:s26+$0xE420] =	vst v4;
	s26 =	smov.u32 s29  }
0x25: {  	v1 =	vmul.f32 $8.000000000e+00, v1  }
0x26: {  	v2 =	vmul.f32 $8.000000000e+00, v2  }
0x27: {  	v3 =	vmul.f32 $8.000000000e+00, v3;
	[tilespmem:s26+$0xE430] =	vst v1  }
0x28: {  	[tilespmem:s26+$0xE400] =	vst v2;
	v0 =	vmul.f32 $8.000000000e+00, v0  }
0x29: {  	[tilespmem:s26+$0xE410] =	vst v3  }
0x2a: {  	s31 =	simm.s32 $0x0;
	[tilespmem:s26+$0xE420] =	vst v0  }
0x2b: {  	[hbm4b:s7+s31] =	stream.linear.scatter [tilespmem:s18], [sflag:$0x3], $0x4000, $0x38;
	[tilespmem:$0x16400] =	vst v63  }
0x2c: {  	_ = 	snop  }
0x2d: {  	[tilespmem:s15], [sflag:$0x1] =	stream.indirect.gather [hbm4b:s3+s14], $0x80, s19, s14, $0xb8;
	[tilespmem:$0x16400] =	vst v63  }
0x2e: {  	_ =	swait.ge [sflag:s20], $0x4000  }
0x2f: {  	[sflag:s20] =	ssyncset.done $0x0  }
0x30: {  	s26 =	simm.s32 $0x0;
	[sflag:s20] =	ssyncadd.s32 $0xFFFFC000  }
0x31: {  	v1 =	vld [tilespmem:s26+$0xA430]  }
0x32: {  	v2 =	vld [tilespmem:s26+$0xA400]  }
0x33: {  	v3 =	vld [tilespmem:s26+$0xA410]  }
0x34: {  	v0 =	vld [tilespmem:s26+$0xA420]  }
0x35: {  	s28 =	simm.s32 $0x200  }
.LBB2_4:
0x36: {  	s29 =	sshra.s32 s28, $0x2;
	p0 =	sne.s32 s28, $0xFE00;
	s28 =	sadd.s32 $0x200, s28;
	v4 =	vmul.f32 $8.000000000e+00, v1  }
.Ltmp1:
0x37: {  	v1 =	vld [tilespmem:s29+$0xA430];
	v5 =	vmul.f32 $8.000000000e+00, v2;
	(pc) =	sbr.rel @p0 .LBB2_4-.Ltmp1, $4  }
0x38: {  	v2 =	vld [tilespmem:s29+$0xA400];
	v6 =	vmul.f32 $8.000000000e+00, v3;
	[tilespmem:s26+$0x12430] =	vst v4  }
0x39: {  	v3 =	vld [tilespmem:s29+$0xA410];
	[tilespmem:s26+$0x12400] =	vst v5;
	v4 =	vmul.f32 $8.000000000e+00, v0  }
0x3a: {  	v0 =	vld [tilespmem:s29+$0xA420];
	[tilespmem:s26+$0x12410] =	vst v6  }
0x3b: {  	[tilespmem:s26+$0x12420] =	vst v4;
	s26 =	smov.u32 s29  }
0x3c: {  	v1 =	vmul.f32 $8.000000000e+00, v1  }
0x3d: {  	v2 =	vmul.f32 $8.000000000e+00, v2  }
0x3e: {  	v3 =	vmul.f32 $8.000000000e+00, v3;
	[tilespmem:s26+$0x12430] =	vst v1  }
0x3f: {  	[tilespmem:s26+$0x12400] =	vst v2;
	v0 =	vmul.f32 $8.000000000e+00, v0  }
0x40: {  	[tilespmem:s26+$0x12410] =	vst v3  }
0x41: {  	[tilespmem:s26+$0x12420] =	vst v0  }
0x42: {  	[hbm4b:s8+s2] =	stream.linear.scatter [tilespmem:s21], [sflag:$0x4], $0x4000, $0x38;
	[tilespmem:$0x16400] =	vst v63  }
0x43: {  	s26 =	simm.s32 $0x1  }
0x44: {  	[tilespmem:s16], [sflag:$0x2] =	stream.indirect.gather [hbm4b:s3+s14], $0x80, s22, s14, $0xb8;
	[tilespmem:$0x16400] =	vst v63  }
.LBB2_6:
0x45: {  	_ =	swait.ge [sflag:s17], $0x4000  }
0x46: {  	[sflag:s17] =	ssyncset.done $0x0  }
0x47: {  	[sflag:s17] =	ssyncadd.s32 $0xFFFFC000  }
0x48: {  	_ =	swait.ge [sflag:s23], $0x4000  }
0x49: {  	[sflag:s23] =	ssyncset.done $0x0  }
0x4a: {  	s29 =	simm.s32 $0x0;
	[sflag:s23] =	ssyncadd.s32 $0xFFFFC000  }
0x4b: {  	v1 =	vld [tilespmem:s29+$0x6430]  }
0x4c: {  	v2 =	vld [tilespmem:s29+$0x6400]  }
0x4d: {  	v3 =	vld [tilespmem:s29+$0x6410]  }
0x4e: {  	v0 =	vld [tilespmem:s29+$0x6420]  }
0x4f: {  	s28 =	simm.s32 $0x200  }
.LBB2_7:
0x50: {  	s30 =	sshra.s32 s28, $0x2;
	p0 =	sne.s32 s28, $0xFE00;
	s28 =	sadd.s32 $0x200, s28;
	v4 =	vmul.f32 $8.000000000e+00, v1  }
.Ltmp2:
0x51: {  	v1 =	vld [tilespmem:s30+$0x6430];
	v5 =	vmul.f32 $8.000000000e+00, v2;
	(pc) =	sbr.rel @p0 .LBB2_7-.Ltmp2, $4  }
0x52: {  	v2 =	vld [tilespmem:s30+$0x6400];
	v6 =	vmul.f32 $8.000000000e+00, v3;
	[tilespmem:s29+$0xE430] =	vst v4  }
0x53: {  	v3 =	vld [tilespmem:s30+$0x6410];
	[tilespmem:s29+$0xE400] =	vst v5;
	v4 =	vmul.f32 $8.000000000e+00, v0  }
0x54: {  	v0 =	vld [tilespmem:s30+$0x6420];
	[tilespmem:s29+$0xE410] =	vst v6  }
0x55: {  	[tilespmem:s29+$0xE420] =	vst v4;
	s29 =	smov.u32 s30  }
0x56: {  	v1 =	vmul.f32 $8.000000000e+00, v1  }
0x57: {  	s28 =	sshll.u32 s26, $0x1;
	v2 =	vmul.f32 $8.000000000e+00, v2  }
0x58: {  	s30 =	sadd.s32 s5, s28;
	v3 =	vmul.f32 $8.000000000e+00, v3;
	[tilespmem:s29+$0xE430] =	vst v1  }
0x59: {  	s30 =	sshll.u32 s30, $0xB;
	[tilespmem:s29+$0xE400] =	vst v2;
	v0 =	vmul.f32 $8.000000000e+00, v0  }
0x5a: {  	s30 =	sand.u32 $0x1FFFF000, s30;
	[tilespmem:s29+$0xE410] =	vst v3  }
0x5b: {  	[tilespmem:s29+$0xE420] =	vst v0;
	s29 =	sadd.s32 s4, s30;
	s30 =	simm.s32 $0x0  }
0x5c: {  	[hbm4b:s29+s30] =	stream.linear.scatter [tilespmem:s18], [sflag:$0x3], $0x4000, $0x38;
	[tilespmem:$0x16400] =	vst v63  }
0x5d: {  	s29 =	sshll.u32 s26, $0x8  }
0x5e: {  	s29 =	sand.u32 $0x3FFFFF00, s29  }
0x5f: {  	s30 =	sadd.s32 $0x100, s29  }
0x60: {  	[tilespmem:s15], [sflag:$0x1] =	stream.indirect.gather [hbm4b:s3+s14], $0x80, s30, s14, $0xb8;
	[tilespmem:$0x16400] =	vst v63  }
0x61: {  	_ =	swait.ge [sflag:s20], $0x4000  }
0x62: {  	[sflag:s20] =	ssyncset.done $0x0  }
0x63: {  	[sflag:s20] =	ssyncadd.s32 $0xFFFFC000  }
0x64: {  	_ =	swait.ge [sflag:s24], $0x4000  }
0x65: {  	[sflag:s24] =	ssyncset.done $0x0  }
0x66: {  	s30 =	simm.s32 $0x0;
	[sflag:s24] =	ssyncadd.s32 $0xFFFFC000  }
0x67: {  	v1 =	vld [tilespmem:s30+$0xA430]  }
0x68: {  	v2 =	vld [tilespmem:s30+$0xA400]  }
0x69: {  	v3 =	vld [tilespmem:s30+$0xA410]  }
0x6a: {  	v0 =	vld [tilespmem:s30+$0xA420]  }
0x6b: {  	s31 =	simm.s32 $0x200  }
.LBB2_9:
0x6c: {  	s0 =	sshra.s32 s31, $0x2;
	p0 =	sne.s32 s31, $0xFE00;
	s31 =	sadd.s32 $0x200, s31;
	v4 =	vmul.f32 $8.000000000e+00, v1  }
.Ltmp3:
0x6d: {  	v1 =	vld [tilespmem:s0+$0xA430];
	v5 =	vmul.f32 $8.000000000e+00, v2;
	(pc) =	sbr.rel @p0 .LBB2_9-.Ltmp3, $4  }
0x6e: {  	v2 =	vld [tilespmem:s0+$0xA400];
	v6 =	vmul.f32 $8.000000000e+00, v3;
	[tilespmem:s30+$0x12430] =	vst v4  }
0x6f: {  	v3 =	vld [tilespmem:s0+$0xA410];
	[tilespmem:s30+$0x12400] =	vst v5;
	v4 =	vmul.f32 $8.000000000e+00, v0  }
0x70: {  	v0 =	vld [tilespmem:s0+$0xA420];
	[tilespmem:s30+$0x12410] =	vst v6  }
0x71: {  	[tilespmem:s30+$0x12420] =	vst v4;
	s30 =	smov.u32 s0  }
0x72: {  	v1 =	vmul.f32 $8.000000000e+00, v1  }
0x73: {  	v2 =	vmul.f32 $8.000000000e+00, v2  }
0x74: {  	s0 =	sadd.s32 s28, s9;
	s26 =	sadd.s32 $0x1, s26;
	v3 =	vmul.f32 $8.000000000e+00, v3;
	[tilespmem:s30+$0x12430] =	vst v1  }
0x75: {  	s0 =	sshll.u32 s0, $0xB;
	p0 =	sne.s32 s26, $0x63;
	[tilespmem:s30+$0x12400] =	vst v2;
	v0 =	vmul.f32 $8.000000000e+00, v0  }
.Ltmp4:
0x76: {  	s0 =	sand.u32 $0x1FFFF800, s0;
	[tilespmem:s30+$0x12410] =	vst v3;
	(pc) =	sbr.rel @p0 .LBB2_6-.Ltmp4, $4  }
0x77: {  	s0 =	sadd.s32 s4, s0;
	[tilespmem:s30+$0x12420] =	vst v0  }
0x78: {  	[hbm4b:s0+s2] =	stream.linear.scatter [tilespmem:s21], [sflag:$0x4], $0x4000, $0x38;
	[tilespmem:$0x16400] =	vst v63  }
0x79: {  	s31 =	sadd.s32 $0x180, s29  }
0x7a: {  	[tilespmem:s16], [sflag:$0x2] =	stream.indirect.gather [hbm4b:s3+s14], $0x80, s31, s14, $0xb8;
	[tilespmem:$0x16400] =	vst v63  }
0x7b: {  	_ =	swait.ge [sflag:s17], $0x4000  }
0x7c: {  	[sflag:s17] =	ssyncset.done $0x0  }
0x7d: {  	[sflag:s17] =	ssyncadd.s32 $0xFFFFC000  }
0x7e: {  	_ =	swait.ge [sflag:s23], $0x4000  }
0x7f: {  	[sflag:s23] =	ssyncset.done $0x0  }
0x80: {  	s26 =	simm.s32 $0x0;
	[sflag:s23] =	ssyncadd.s32 $0xFFFFC000  }
0x81: {  	v1 =	vld [tilespmem:s26+$0x6430]  }
0x82: {  	v2 =	vld [tilespmem:s26+$0x6400]  }
0x83: {  	v3 =	vld [tilespmem:s26+$0x6410]  }
0x84: {  	v0 =	vld [tilespmem:s26+$0x6420]  }
0x85: {  	s28 =	simm.s32 $0x200  }
.LBB2_12:
0x86: {  	s0 =	sshra.s32 s28, $0x2;
	p0 =	sne.s32 s28, $0xFE00;
	s28 =	sadd.s32 $0x200, s28;
	v4 =	vmul.f32 $8.000000000e+00, v1  }
.Ltmp5:
0x87: {  	v1 =	vld [tilespmem:s0+$0x6430];
	v5 =	vmul.f32 $8.000000000e+00, v2;
	(pc) =	sbr.rel @p0 .LBB2_12-.Ltmp5, $4  }
0x88: {  	v2 =	vld [tilespmem:s0+$0x6400];
	v6 =	vmul.f32 $8.000000000e+00, v3;
	[tilespmem:s26+$0xE430] =	vst v4  }
0x89: {  	v3 =	vld [tilespmem:s0+$0x6410];
	[tilespmem:s26+$0xE400] =	vst v5;
	v4 =	vmul.f32 $8.000000000e+00, v0  }
0x8a: {  	v0 =	vld [tilespmem:s0+$0x6420];
	[tilespmem:s26+$0xE410] =	vst v6  }
0x8b: {  	[tilespmem:s26+$0xE420] =	vst v4;
	s26 =	smov.u32 s0  }
0x8c: {  	v1 =	vmul.f32 $8.000000000e+00, v1  }
0x8d: {  	v2 =	vmul.f32 $8.000000000e+00, v2  }
0x8e: {  	v3 =	vmul.f32 $8.000000000e+00, v3;
	[tilespmem:s26+$0xE430] =	vst v1  }
0x8f: {  	[tilespmem:s26+$0xE400] =	vst v2;
	v0 =	vmul.f32 $8.000000000e+00, v0  }
0x90: {  	[tilespmem:s26+$0xE410] =	vst v3  }
0x91: {  	s0 =	simm.s32 $0x0;
	[tilespmem:s26+$0xE420] =	vst v0  }
0x92: {  	[hbm4b:s10+s0] =	stream.linear.scatter [tilespmem:s18], [sflag:$0x3], $0x4000, $0x38;
	[tilespmem:$0x16400] =	vst v63  }
0x93: {  	_ =	swait.ge [sflag:s20], $0x4000  }
0x94: {  	[sflag:s20] =	ssyncset.done $0x0  }
0x95: {  	[sflag:s20] =	ssyncadd.s32 $0xFFFFC000  }
0x96: {  	_ =	swait.ge [sflag:s24], $0x4000  }
0x97: {  	[sflag:s24] =	ssyncset.done $0x0  }
0x98: {  	s26 =	simm.s32 $0x0;
	[sflag:s24] =	ssyncadd.s32 $0xFFFFC000  }
0x99: {  	v1 =	vld [tilespmem:s26+$0xA430]  }
0x9a: {  	v2 =	vld [tilespmem:s26+$0xA400]  }
0x9b: {  	v3 =	vld [tilespmem:s26+$0xA410]  }
0x9c: {  	v0 =	vld [tilespmem:s26+$0xA420]  }
0x9d: {  	s28 =	simm.s32 $0x200  }
.LBB2_14:
0x9e: {  	s0 =	sshra.s32 s28, $0x2;
	p0 =	sne.s32 s28, $0xFE00;
	s28 =	sadd.s32 $0x200, s28;
	v4 =	vmul.f32 $8.000000000e+00, v1  }
.Ltmp6:
0x9f: {  	v1 =	vld [tilespmem:s0+$0xA430];
	v5 =	vmul.f32 $8.000000000e+00, v2;
	(pc) =	sbr.rel @p0 .LBB2_14-.Ltmp6, $4  }
0xa0: {  	v2 =	vld [tilespmem:s0+$0xA400];
	v6 =	vmul.f32 $8.000000000e+00, v3;
	[tilespmem:s26+$0x12430] =	vst v4  }
0xa1: {  	v3 =	vld [tilespmem:s0+$0xA410];
	[tilespmem:s26+$0x12400] =	vst v5;
	v4 =	vmul.f32 $8.000000000e+00, v0  }
0xa2: {  	v0 =	vld [tilespmem:s0+$0xA420];
	[tilespmem:s26+$0x12410] =	vst v6  }
0xa3: {  	[tilespmem:s26+$0x12420] =	vst v4;
	s26 =	smov.u32 s0  }
0xa4: {  	v1 =	vmul.f32 $8.000000000e+00, v1  }
0xa5: {  	v2 =	vmul.f32 $8.000000000e+00, v2  }
0xa6: {  	v3 =	vmul.f32 $8.000000000e+00, v3;
	[tilespmem:s26+$0x12430] =	vst v1  }
0xa7: {  	[tilespmem:s26+$0x12400] =	vst v2;
	v0 =	vmul.f32 $8.000000000e+00, v0  }
0xa8: {  	[tilespmem:s26+$0x12410] =	vst v3  }
0xa9: {  	s25 =	sadd.s32 $0x1, s25;
	[tilespmem:s26+$0x12420] =	vst v0  }
0xaa: {  	[hbm4b:s11+s2] =	stream.linear.scatter [tilespmem:s21], [sflag:$0x4], $0x4000, $0x38;
	[tilespmem:$0x16400] =	vst v63  }
0xab: {  	p0 =	sne.s32 s25, s12;
	_ =	swait.ge [sflag:s23], $0x4000  }
.Ltmp7:
0xac: {  	[sflag:s23] =	ssyncset.done $0x0;
	(pc) =	sbr.rel @p0 .LBB2_1-.Ltmp7, $4  }
0xad: {  	[sflag:s23] =	ssyncadd.s32 $0xFFFFC000  }
0xae: {  	_ =	swait.ge [sflag:s24], $0x4000  }
0xaf: {  	[sflag:s24] =	ssyncset.done $0x0  }
0xb0: {  	[sflag:s24] =	ssyncadd.s32 $0xFFFFC000  }
0xb1: {  	_ =	sfence.sel $0x180000  }
0xb2: {  	[bflag:$0x0] =	sbarrier.arrive $0xFFFF  }
0xb3: {  	_ =	strace $0x90000047  }
0xb4: {  	[bflag:$0x2] =	sbarrier.arrive $0xFFFF  }
0xb5: {  	p0 =	sne.s32 s1, $0x0;
	s0 =	rddreg [dreg:$0x2]  }
0xb6: {  	s0 =	sadd.s32 @!p0 $0x100000, s0  }
0xb7: {  	[sflag:s0] =	ssyncadd.tile.s32 @!p0 $0x1;
	_ =	shalt  }
.Lfunc_end2:
_tile_overlayer_lowered:
.L_overlay_start_2:
0xb8: {  	(tag) =	ssettag $0x2  }
0xb9: {  	s0 =	rddreg [dreg:$0x0];
	s2 =	stileid.u32  }
0xba: {  	s1 =	rddreg [dreg:$0x1];
	p0 =	sne.s32 s2, $0x0  }
0xbb: {  	s3 =	rddreg [dreg:$0x2];
	[bflag:$0x3] =	sbarrier.arrive $0xFFFF;
	s2 =	simm.s32 @!p0 $0x1C05  }
0xbc: {  	[timem:s3], [sflag:s2] =	dma.local @!p0 [hbm:s0], s1  }
0xbd: {  	s0 =	simm.s32 @!p0 $0x5  }
0xbe: {  	_ =	swait.ge @!p0 [sflag:s0], s1  }
0xbf: {  	s1 =	ssub.s32 @!p0 $0x0, s1;
	[sflag:s0] =	ssyncset.done @!p0 $0x0  }
0xc0: {  	[sflag:s0] =	ssyncadd.s32 @!p0 s1  }
0xc1: {  	[bflag:$0x3] =	sbarrier.arrive $0xFFFF  }
0xc2: {  	_ =	shalt  }

// kernel: sparse-core-data-format-call.cloned.1.call-start
scs
called_computation_lowered:
.L_overlay_start_0:
0x0: {  	s2 =	sld [smem:$0x3FD9]  }
0x1: {  	s3 =	sld [smem:$0x3FFE];
	_ =	sdelay $0x1  }
0x2: {  	s1 =	srdreg.scid  }
0x3: {  	s0 =	sand.u32 $0x1, s1  }
0x4: {  	s18 =	sshll.u32 s0, $0xA;
	s2 =	sadd.s32 s3, s2  }
0x5: {  	s2 =	sadd.s32 s2, s18  }
0x6: {  	[smem:$0x3FC6] =	sst s2  }
0x7: {  	_ = 	snop  }
0x8: {  	s2 =	sld [smem:$0x3FD0];
	(tm) =	ssettm $0x1  }
0x9: {  	s19 =	sld [smem:$0x3FFB];
	_ =	sdelay $0x3  }
0xa: {  	_ =	strace s19  }
0xb: {  	s3 =	sld [smem:$0x3FFC];
	_ =	sdelay $0x3  }
0xc: {  	_ =	strace s3  }
0xd: {  	s3 =	sld [smem:$0x3FFD];
	_ =	sdelay $0x3  }
0xe: {  	_ =	strace s3  }
0xf: {  	_ =	strace $0x8FFFFFFF  }
0x10: {  	s20 =	sld [smem:$0x3FDB];
	_ =	sdelay $0x1  }
0x11: {  	s4 =	simm.s32 $_scs_section_size  }
0x12: {  	s5 =	simm.s32 $_size__tile_overlayer_lowered;
	s6 =	simm.s32 $_tile_overlayer_lowered  }
0x13: {  	s23 =	simm.s32 $0x1BFF;
	s22 =	sshll.u32 s6, $0x1;
	s3 =	sadd.s32 s4, s20  }
0x14: {  	s7 =	simm.s32 $0x0;
	s21 =	sshll.u32 s5, $0x1;
	s5 =	sadd.s32 s22, s3  }
0x15: {  	[timem:s7], [sflag:s23] =	dma.local [hbm:s5], s21  }
0x16: {  	_ =	swait.ge [sflag:s23], s21  }
0x17: {  	s4 =	ssub.s32 $0x0, s21;
	[sflag:s23] =	ssyncset.done $0x0  }
0x18: {  	[sflag:s23] =	ssyncadd.s32 s4;
	_ =	sdelay $0x1  }
0x19: {  	s24 =	simm.s32 $0x1B8B  }
0x1a: {  	_ =	swait.ge [sflag:s24], $0x1  }
0x1b: {  	[sflag:s24] =	ssyncset.done $0x0  }
0x1c: {  	s26 =	simm.s32 $0x1B8E;
	s25 =	sld [smem:$0x3FFE];
	[sflag:s24] =	ssyncadd.s32 $0xFFFFFFFF  }
0x1d: {  	s27 =	simm.s32 $execute0_lowered;
	[smem:$0x3FD2] =	sst s26  }
0x1e: {  	s5 =	sshll.u32 s27, $0x1;
	_ =	strace $0x80000049;
	[dreg:$0x1] =	wrdreg $0xFFFFFFFF  }
0x1f: {  	s28 =	simm.s32 $_size_execute0_lowered;
	s3 =	sadd.s32 s3, s5;
	[dreg:$0x0] =	wrdreg $0x0  }
0x20: {  	s5 =	sshll.u32 s28, $0x1;
	[dreg:$0x2] =	wrdreg s3  }
0x21: {  	[dreg:$0x3] =	wrdreg s5  }
0x22: {  	[dreg:$0x4] =	wrdreg $0xC0  }
0x23: {  	_ =	task [dreg:s7], $0x5FFFF  }
0x24: {  	[dreg:$0x1] =	wrdreg $0xFFFFFFFF  }
0x25: {  	[dreg:$0x0] =	wrdreg $0x60  }
0x26: {  	[dreg:$0x2] =	wrdreg s25  }
0x27: {  	[dreg:$0x3] =	wrdreg s2  }
0x28: {  	[dreg:$0x4] =	wrdreg $0x9  }
0x29: {  	_ =	task.clear_ibuf [dreg:s7], $0x5FFFF;
	_ =	strace $0x90000049  }
0x2a: {  	s29 =	simm.s32 $0x9;
	_ =	strace $0x8000004B  }
0x2b: {  	_ =	swait.ge [sflag:s29], $0x1  }
0x2c: {  	[sflag:s29] =	ssyncadd.s32 $0xFFFFFFFF  }
0x2d: {  	_ =	strace $0x9000004B  }
0x2e: {  	_ =	sfence  }
0x2f: {  	s30 =	sld [smem:$0x0];
	_ =	sdelay $0x2  }
0x30: {  	s31 =	sshll.u32 s1, $0xD;
	s1 =	sshrl.u32 s1, $0x2  }
0x31: {  	s3 =	sand.u32 $0x4000, s31;
	s1 =	sadd.s32 s1, s30  }
0x32: {  	s0 =	sor.u32 s3, s0;
	s1 =	sshll.u32 s1, $0x11  }
0x33: {  	s0 =	sor.u32 s1, s0  }
0x34: {  	s0 =	sadd.s32 $0x8F2B, s0  }
0x35: {  	[sflag:s0] =	ssyncadd.remote.s32 $0x1  }
0x36: {  	_ =	sfence.sel $0xFFFF  }
0x37: {  	[dreg:$0x0] =	wrdreg $0xFFFFFFFF;
	(pc) =	sbr.abs _section_cstart, $3  }
0x38: {  	[dreg:$0x1] =	wrdreg $0xFFFFFFFF  }
0x39: {  	_ =	task.clear_ibuf [dreg:s7], $0x2FFFF;
	_ =	strace $0x9FFFFFFF  }
0x3a: {  	(tm) =	ssettm $0x7FFFFFFF  }
0x3b: {  	_ =	shalt  }
tec
execute0_lowered:
.L_overlay_start_1:
0x0: {  	(tag) =	ssettag $0x1  }
0x1: {  	s0 =	srdreg.scid  }
0x2: {  	s1 =	sshll.u32 s0, $0x4  }
0x3: {  	s0 =	stileid.u32;
	s1 =	sand.u32 $0x10, s1  }
0x4: {  	s1 =	sor.u32 s0, s1  }
0x5: {  	s6 =	rddreg [dreg:$0x0];
	s4 =	simm.s32 $0x1;
	s2 =	sshll.u32 s1, $0x7  }
0x6: {  	s7 =	simm.s32 $0x2;
	s12 =	simm.s32 $0x0;
	s1 =	ssub.s32 $0x1000, s2  }
0x7: {  	s8 =	simm.s32 $0x8000;
	s13 =	simm.s32 $0x0;
	s3 =	sand.u32 $0xF80, s1  }
0x8: {  	s9 =	simm.s32 $0x0;
	s5 =	sshrl.u32 s1, $0xC;
	p0 =	sne.s32 s3, $0x0  }
.Ltmp0:
0x9: {  	s1 =	rddreg [dreg:$0x2];
	s4 =	simm.s32 @!p0 $0x0;
	(pc) =	sbr.rel .LBB1_1-.Ltmp0, $4  }
0xa: {  	s11 =	simm.s32 $0x0;
	s3 =	rddreg [dreg:$0x1];
	s5 =	sadd.s32 s4, s5  }
0xb: {  	_ =	strace $0x8000004A;
	s4 =	simm.s32 $0x1;
	s5 =	smul.u32 $0xC8, s5  }
0xc: {  	s6 =	sadd.s32 $0xA00, s6;
	s10 =	smov.u32 s2;
	[sflag:s4] =	ssyncpa.u1 $0x0  }
0xd: {  	p0 =	por $0x0, $0x0;
	[sflag:s7] =	ssyncpa.u1 $0x0;
	s7 =	sor.u32 $0x1, s5  }
.LBB1_4:
0xe: {  	s16 =	sshll.u32 s13, $0x3;
	s17 =	sand.u32 $0x78, s13  }
0xf: {  	s30 =	sand.u32 $0x7E00, s13;
	s12 =	sshll.u32 s12, $0xF;
	s16 =	sand.u32 $0xC00, s16  }
0x10: {  	[tilespmem:s15+$0x810 ss:$0x81] =	vst.msk $0xffff, v2;
	s31 =	sand.u32 $0x7, s13;
	s16 =	sor.u32 s17, s16;
	s17 =	sadd.s32 s3, s30  }
0x11: {  	[tilespmem:s15+$0x1020 ss:$0x81] =	vst.msk $0xffff, v0;
	s13 =	sshll.u32 s31, $0x12;
	s12 =	sadd.s32 s12, s17;
	s16 =	sshrl.u32 s16, $0x3  }
0x12: {  	[tilespmem:s15+$0x0 ss:$0x81] =	vst.msk $0xffff, v1;
	s13 =	sor.u32 $0x400, s13;
	s12 =	sadd.s32 s16, s12  }
0x13: {  	[hbm4b:s12+s13] =	stream.strided.scatter [tilespmem:s14], [sflag:$0x2], $0x2000, s8, s13, $0x20;
	[tilespmem:$0x8080] =	vst v63  }
.LBB1_5:
0x14: {  	s14 =	sadd.s32 $0x1, s9  }
0x15: {  	s12 =	sadd.s32 $0x1000, s10;
	s16 =	smov.u32 s10;
	p2 =	sgt.s32 s14, $0xC7  }
0x16: {  	s16 =	smov.u32 @p2 s12  }
0x17: {  	s14 =	simm.s32 @p2 $0x0;
	p2 =	sgt.s32 s16, $0xFFF  }
0x18: {  	s16 =	smov.u32 @p2 s2;
	p2 =	sne.s32 s11, s7  }
.Ltmp1:
0x19: {  	p1 =	slt.u32 s11, $0x2;
	(pc) =	sbr.rel @!p2 .LBB1_6-.Ltmp1, $4  }
0x1a: {  	s15 =	simm.s32 @!p1 $0x2  }
0x1b: {  	s13 =	smov.u32 s10;
	p0 =	por !p0, !p0;
	_ =	swait.ge @!p1 [sflag:s15], $0x2000  }
0x1c: {  	s12 =	smov.u32 s9;
	[sflag:s15] =	ssyncset.done @!p1 $0x0;
	s9 =	smov.u32 s14  }
0x1d: {  	s11 =	sadd.s32 $0x1, s11;
	[sflag:s15] =	ssyncadd.s32 @!p1 $0xFFFFE000;
	s10 =	smov.u32 s16  }
.LBB1_1:
0x1e: {  	p1 =	sge.u32 s11, s5  }
0x1f: {  	s14 =	sand.u32 @!p1 $0x1FFFFFF, s9  }
0x20: {  	s15 =	smulhi.u32 @!p1 $0x147AE15, s14;
	_ =	sdelay $0x1  }
0x21: {  	s15 =	smul.u32 @!p1 $0xC8, s15  }
0x22: {  	s16 =	sxor.u32 @!p1 $0xFFFFFFFF, s11;
	s17 =	smul.u32 @!p1 $0xC80, s10  }
0x23: {  	s31 =	sadd.s32 $0xFFFFFFFF, s11;
	s16 =	sshll.u32 @!p1 s16, $0xD;
	s14 =	ssub.s32 @!p1 s14, s15  }
0x24: {  	s15 =	sand.u32 @!p1 $0x2000, s16;
	s16 =	sadd.s32 @!p1 s6, s17;
	s14 =	sshll.u32 @!p1 s14, $0x4  }
0x25: {  	s17 =	simm.s32 @!p1 $0x6400;
	s14 =	sadd.s32 @!p1 s14, s16;
	s16 =	simm.s32 @!p1 $0x40  }
0x26: {  	[tilespmem:s15], [sflag:$0x1] =	stream.strided.gather @!p1 [hbm4b:s14+s16], $0x2000, s17, s16, $0x38;
	[tilespmem:$0x8080] =	vst v63  }
0x27: {  	p1 =	sge.u32 s31, s5  }
.Ltmp2:
0x28: {  	_ = 	snop;
	(pc) =	sbr.rel @p1 .LBB1_5-.Ltmp2, $1  }
0x29: {  	_ =	sdelay $0x3  }
0x2a: {  	s14 =	simm.s32 $0x1  }
0x2b: {  	_ =	swait.ge [sflag:s4], $0x2000;
	s14 =	simm.s32 @!p0 $0x0  }
0x2c: {  	[sflag:s4] =	ssyncset.done $0x0;
	s15 =	sshll.u32 s14, $0xD  }
0x2d: {  	[sflag:s4] =	ssyncadd.s32 $0xFFFFE000;
	s18 =	sor.u32 $0x20, s15  }
0x2e: {  	s14 =	smul.u32 $0x8100, s14;
	v3 =	vld [tilespmem:s18+$0x10]  }
0x2f: {  	s30 =	sand.u32 $0x1, s11;
	v2 =	vld [tilespmem:s18+$0xFFFFFFF0]  }
0x30: {  	s15 =	smul.u32 $0x8100, s30;
	s14 =	sshrl.u32 s14, $0x2;
	v0 =	vld [tilespmem:s18+$0x0]  }
0x31: {  	v1 =	vld [tilespmem:s18+$0xFFFFFFE0];
	s16 =	sor.u32 $0x4000, s14  }
0x32: {  	s31 =	sshrl.u32 s15, $0x2;
	s15 =	sadd.s32 $0x0, s16  }
0x33: {  	s17 =	simm.s32 $0x4;
	s18 =	sadd.s32 $0x40, s18;
	s14 =	sor.u32 $0x4000, s31;
	[tilespmem:s15+$0x1830 ss:$0x81] =	vst.msk $0xffff, v3  }
.LBB1_3:
0x34: {  	v3 =	vld [tilespmem:s18+$0x10];
	p1 =	sne.s32 s17, $0x1FC;
	[tilespmem:s15+$0x810 ss:$0x81] =	vst.msk $0xffff, v2;
	s19 =	smov.u32 s17;
	s17 =	sadd.s32 $0x4, s17  }
.Ltmp3:
0x35: {  	v2 =	vld [tilespmem:s18+$0xFFFFFFF0];
	[tilespmem:s15+$0x1020 ss:$0x81] =	vst.msk $0xffff, v0;
	(pc) =	sbr.rel @p1 .LBB1_3-.Ltmp3, $4  }
0x36: {  	v0 =	vld [tilespmem:s18+$0x0];
	[tilespmem:s15+$0x0 ss:$0x81] =	vst.msk $0xffff, v1  }
0x37: {  	s15 =	sshra.s32 s19, $0x2;
	v1 =	vld [tilespmem:s18+$0xFFFFFFE0]  }
0x38: {  	s15 =	sadd.s32 s15, s16  }
0x39: {  	s18 =	sadd.s32 $0x40, s18;
	[tilespmem:s15+$0x1830 ss:$0x81] =	vst.msk $0xffff, v3  }
.Ltmp4:
0x3a: {  	_ = 	snop;
	(pc) =	sbr.rel .LBB1_4-.Ltmp4, $1  }
0x3b: {  	_ =	sdelay $0x3  }
.LBB1_6:
0x3c: {  	_ =	sfence.sel $0x180000  }
0x3d: {  	s2 =	simm.s32 $0x1;
	[bflag:$0x0] =	sbarrier.arrive $0xFFFF  }
0x3e: {  	s31 =	simm.s32 $0x2;
	[sflag:s2] =	ssyncpa.u1 $0x1  }
0x3f: {  	[sflag:s31] =	ssyncpa.u1 $0x1  }
0x40: {  	p0 =	sne.s32 s0, $0x0;
	_ =	strace $0x9000004A  }
0x41: {  	s0 =	sadd.s32 @!p0 $0x100000, s1;
	[bflag:$0x2] =	sbarrier.arrive $0xFFFF  }
0x42: {  	[sflag:s0] =	ssyncadd.tile.s32 @!p0 $0x1;
	_ =	shalt  }
.Lfunc_end1:
_tile_overlayer_lowered:
.L_overlay_start_2:
0x43: {  	(tag) =	ssettag $0x2  }
0x44: {  	s0 =	rddreg [dreg:$0x0];
	s2 =	stileid.u32  }
0x45: {  	s1 =	rddreg [dreg:$0x1];
	p0 =	sne.s32 s2, $0x0  }
0x46: {  	s3 =	rddreg [dreg:$0x2];
	[bflag:$0x3] =	sbarrier.arrive $0xFFFF;
	s2 =	simm.s32 @!p0 $0x1C01  }
0x47: {  	[timem:s3], [sflag:s2] =	dma.local @!p0 [hbm:s0], s1  }
0x48: {  	s0 =	simm.s32 @!p0 $0x1  }
0x49: {  	_ =	swait.ge @!p0 [sflag:s0], s1  }
0x4a: {  	s1 =	ssub.s32 @!p0 $0x0, s1;
	[sflag:s0] =	ssyncset.done @!p0 $0x0  }
0x4b: {  	[sflag:s0] =	ssyncadd.s32 @!p0 s1  }
0x4c: {  	[bflag:$0x3] =	sbarrier.arrive $0xFFFF  }
0x4d: {  	_ =	shalt  }

</sc_bundles>
